<compile_context>
chip_gen: v7x
topology: tpu7x:2x2x1
jax: 0.10.2.dev20260603
libtpu: 0.0.44.dev20260713+nightly
codegen_flags: <defaults>
</compile_context>

<pallas_src>
import functools

import jax
import jax.numpy as jnp
from jax import lax
from jax.experimental import pallas as pl
from jax.experimental.pallas import tpu as pltpu
from jax.experimental.pallas import tpu_sc as plsc

N_DOMAIN = 26
VOCAB = 100000
DIM = 64
BATCH = 16384
NW = 32
N_ROWS = N_DOMAIN * DIM
R_PER_W = N_ROWS // NW
OCHUNK = 4096
NOB = BATCH // OCHUNK
LANES = 16

_mesh = plsc.VectorSubcoreMesh(core_axis_name="c", subcore_axis_name="s")


@functools.partial(
    pl.kernel,
    mesh=_mesh,
    compiler_params=pltpu.CompilerParams(needs_layout_passes=False),
    out_type=jax.ShapeDtypeStruct((N_DOMAIN, DIM, BATCH), jnp.float32),
    scratch_types=[
        pltpu.VMEM((VOCAB,), jnp.float32),
        pltpu.VMEM((BATCH,), jnp.int32),
        pltpu.VMEM((2, OCHUNK), jnp.float32),
        pltpu.SemaphoreType.DMA,
        pltpu.SemaphoreType.DMA((2,)),
    ],
)
def _gather_kernel(cond_hbm, tables_hbm, out_hbm, row_v, idx_v, obuf, lsem,
                   osems):
    wid = lax.axis_index("s") * 2 + lax.axis_index("c")
    grp = wid // 8
    lane = wid % 8
    t0 = grp * R_PER_W

    def load_idx(i):
        pltpu.async_copy(cond_hbm.at[i], idx_v, lsem).wait()

    def do_row(t, carry):
        band = t0 + t
        i = band // 8
        d = (band % 8) * 8 + lane
        r = t0 + t
        r0 = t0

        @pl.when(jnp.logical_and(t > 0, band % 8 == 0))
        def _():
            load_idx(i)

        pltpu.async_copy(tables_hbm.at[i, d], row_v, lsem).wait()
        for c in range(NOB):
            slot = c % 2
            @pl.when(jnp.logical_or(r > r0, c >= 2))
            def _():
                pltpu.make_async_copy(
                    obuf.at[slot],
                    out_hbm.at[i, d, pl.ds(0, OCHUNK)],
                    osems.at[slot],
                ).wait()

            def gather16(k, _):
                idxv = idx_v[pl.ds(c * OCHUNK + k * LANES, LANES)]
                vals = plsc.load_gather(row_v, [idxv])
                obuf[slot, pl.ds(k * LANES, LANES)] = vals
                return _

            lax.fori_loop(0, OCHUNK // LANES, gather16, 0, unroll=16)
            pltpu.async_copy(
                obuf.at[slot],
                out_hbm.at[i, d, pl.ds(c * OCHUNK, OCHUNK)],
                osems.at[slot],
            )
        return carry

    load_idx(t0 // 8)
    lax.fori_loop(0, R_PER_W, do_row, 0)

    for slot in range(2):
        pltpu.make_async_copy(
            obuf.at[slot],
            out_hbm.at[0, 0, pl.ds(0, OCHUNK)],
            osems.at[slot],
        ).wait()


def kernel(conditions, tables):
    cond_t = conditions.astype(jnp.int32).T
    tables_t = jnp.transpose(tables, (0, 2, 1))
    out = _gather_kernel(cond_t, tables_t)
    out = out.reshape(N_DOMAIN, 8, 8, BATCH)
    return jnp.transpose(out, (3, 0, 1, 2))

# --- scband reference (transcript-rebuilt; emitter-appended) ---
"""Pipeline reference for scband-category-embedding-block-26156350832662 (READ-ONLY COPY).

The authoritative reference and input builder live on the scoring server;
editing this copy changes nothing except your own understanding.
"""

import jax, jax.numpy as jnp
import numpy as np

N_DOMAIN = 26
VOCAB = 100000
HEIGHT = 8
WIDTH = 8
DIM = HEIGHT * WIDTH
BATCH = 16384


def setup_inputs(seed: int = 0) -> dict:
    key = jax.random.key(seed)
    k_idx, k_tab = jax.random.split(key)
    conditions = jax.random.randint(k_idx, (BATCH, N_DOMAIN), 0, VOCAB, dtype=jnp.int64 if jax.config.read('jax_enable_x64') else jnp.int32)
    # One embedding table per domain; all domains share the same size here,
    # so we materialize them as a stacked array [n_domain, vocab, dim].
    tables = jax.random.normal(k_tab, (N_DOMAIN, VOCAB, DIM), dtype=jnp.float32)
    return {"conditions": conditions, "tables": tables}


def reference(conditions, tables):
    # For each domain i: gather tables[i] at conditions[:, i], stack along dim=1.
    # out[b, i, :] = tables[i, conditions[b, i], :]
    dom_idx = jnp.arange(N_DOMAIN)  # shape [n_domain]
    gathered = tables[dom_idx, conditions]  # [batch, n_domain, dim]
    out = gathered.reshape(gathered.shape[0], -1, HEIGHT, WIDTH)
    return out

if __name__ == "__main__":
    import jax
    _d = setup_inputs()
    print(jax.jit(kernel)(*tuple(_d.values())))

</pallas_src>

<mosaic_0001>
#map = affine_map<(d0, d1) -> (0, 0)>
#map1 = affine_map<(d0, d1) -> (0, 0, 0)>
module attributes {stable_mosaic.version = 14 : i64} {
  func.func @_gather_kernel(%arg0: i32, %arg1: i32, %arg2: memref<26x16384xi32, #tpu.memory_space<hbm>>, %arg3: memref<26x64x100000xf32, #tpu.memory_space<hbm>>, %arg4: memref<26x64x16384xf32, #tpu.memory_space<hbm>>, %arg5: memref<100000xf32, #tpu.memory_space<vmem>>, %arg6: memref<16384xi32, #tpu.memory_space<vmem>>, %arg7: memref<2x4096xf32, #tpu.memory_space<vmem>>, %arg8: memref<!tpu.dma_semaphore, #tpu.memory_space<semaphore_mem>>, %arg9: memref<2x!tpu.dma_semaphore, #tpu.memory_space<semaphore_mem>>) attributes {dimension_semantics = [#tpu.dimension_semantics<core_parallel>, #tpu.dimension_semantics<subcore_parallel>], iteration_bounds = array<i64: 2, 16>, scalar_prefetch = 0 : i64, scratch_operands = 5 : i64, tpu.core_type = #tpu.core_type<sc_vector_subcore>, window_params = [{transform_indices = #map}, {transform_indices = #map1}, {transform_indices = #map1}]} {
    %mul3A = arith.constant 2 : i32
    %mul3A_0 = arith.muli %arg1, %mul3A : i32
    %add3A = arith.addi %mul3A_0, %arg0 : i32
    %jit3A = arith.constant 8 : i32
    %div3A = arith.divsi %add3A, %jit3A : i32
    %sign3A = arith.constant 0 : i32
    %sign3A_1 = arith.cmpi sgt, %add3A, %sign3A : i32
    %sign3A_2 = arith.extui %sign3A_1 : i1 to i32
    %sign3A_3 = arith.constant 0 : i32
    %sign3A_4 = arith.cmpi slt, %add3A, %sign3A_3 : i32
    %sign3A_5 = arith.extui %sign3A_4 : i1 to i32
    %sign3A_6 = arith.subi %sign3A_2, %sign3A_5 : i32
    %sign3A_7 = arith.constant 0 : i32
    %sign3A_8 = arith.cmpi sgt, %jit3A, %sign3A_7 : i32
    %sign3A_9 = arith.extui %sign3A_8 : i1 to i32
    %sign3A_10 = arith.constant 0 : i32
    %sign3A_11 = arith.cmpi slt, %jit3A, %sign3A_10 : i32
    %sign3A_12 = arith.extui %sign3A_11 : i1 to i32
    %sign3A_13 = arith.subi %sign3A_9, %sign3A_12 : i32
    %ne3A = arith.cmpi ne, %sign3A_6, %sign3A_13 : i32
    %rem3A = arith.remsi %add3A, %jit3A : i32
    %ne3A_14 = arith.constant 0 : i32
    %ne3A_15 = arith.cmpi ne, %rem3A, %ne3A_14 : i32
    %and3A = arith.andi %ne3A, %ne3A_15 : i1
    %sub3A = arith.constant 1 : i32
    %sub3A_16 = arith.subi %div3A, %sub3A : i32
    %select_n3A = arith.select %and3A, %sub3A_16, %div3A : i32
    %jit3A_17 = arith.constant 8 : i32
    %eq3A = arith.constant 0 : i32
    %eq3A_18 = arith.cmpi eq, %jit3A_17, %eq3A : i32
    %jit3A_19 = arith.constant 1 : i32
    %select_n3A_20 = arith.select %eq3A_18, %jit3A_19, %jit3A_17 : i32
    %rem3A_21 = arith.remsi %add3A, %select_n3A_20 : i32
    %ne3A_22 = arith.constant 0 : i32
    %ne3A_23 = arith.cmpi ne, %rem3A_21, %ne3A_22 : i32
    %lt3A = arith.constant 0 : i32
    %lt3A_24 = arith.cmpi slt, %rem3A_21, %lt3A : i32
    %lt3A_25 = arith.constant 0 : i32
    %lt3A_26 = arith.cmpi slt, %select_n3A_20, %lt3A_25 : i32
    %ne3A_27 = arith.xori %lt3A_24, %lt3A_26 : i1
    %and3A_28 = arith.andi %ne3A_27, %ne3A_23 : i1
    %add3A_29 = arith.addi %rem3A_21, %select_n3A_20 : i32
    %select_n3A_30 = arith.select %and3A_28, %add3A_29, %rem3A_21 : i32
    %mul3A_31 = arith.constant 52 : i32
    %mul3A_32 = arith.muli %select_n3A, %mul3A_31 : i32
    %jit3A_33 = arith.constant 8 : i32
    %div3A_34 = arith.divsi %mul3A_32, %jit3A_33 : i32
    %sign3A_35 = arith.constant 0 : i32
    %sign3A_36 = arith.cmpi sgt, %mul3A_32, %sign3A_35 : i32
    %sign3A_37 = arith.extui %sign3A_36 : i1 to i32
    %sign3A_38 = arith.constant 0 : i32
    %sign3A_39 = arith.cmpi slt, %mul3A_32, %sign3A_38 : i32
    %sign3A_40 = arith.extui %sign3A_39 : i1 to i32
    %sign3A_41 = arith.subi %sign3A_37, %sign3A_40 : i32
    %sign3A_42 = arith.constant 0 : i32
    %sign3A_43 = arith.cmpi sgt, %jit3A_33, %sign3A_42 : i32
    %sign3A_44 = arith.extui %sign3A_43 : i1 to i32
    %sign3A_45 = arith.constant 0 : i32
    %sign3A_46 = arith.cmpi slt, %jit3A_33, %sign3A_45 : i32
    %sign3A_47 = arith.extui %sign3A_46 : i1 to i32
    %sign3A_48 = arith.subi %sign3A_44, %sign3A_47 : i32
    %ne3A_49 = arith.cmpi ne, %sign3A_41, %sign3A_48 : i32
    %rem3A_50 = arith.remsi %mul3A_32, %jit3A_33 : i32
    %ne3A_51 = arith.constant 0 : i32
    %ne3A_52 = arith.cmpi ne, %rem3A_50, %ne3A_51 : i32
    %and3A_53 = arith.andi %ne3A_49, %ne3A_52 : i1
    %sub3A_54 = arith.constant 1 : i32
    %sub3A_55 = arith.subi %div3A_34, %sub3A_54 : i32
    %select_n3A_56 = arith.select %and3A_53, %sub3A_55, %div3A_34 : i32
    %dma_start3A = arith.constant 0 : i32
    %dma_start3A_57 = tpu.memref_slice %arg2[%select_n3A_56, %dma_start3A] : memref<26x16384xi32, #tpu.memory_space<hbm>> -> memref<1x16384xi32, #tpu.memory_space<hbm>>
    %dma_start3A_58 = tpu.memref_squeeze %dma_start3A_57 : memref<1x16384xi32, #tpu.memory_space<hbm>> -> memref<16384xi32, #tpu.memory_space<hbm>>
    %dma_start3A_59 = arith.constant 0 : i32
    %dma_start3A_60 = tpu.memref_slice %arg2[%select_n3A_56, %dma_start3A_59] : memref<26x16384xi32, #tpu.memory_space<hbm>> -> memref<1x16384xi32, #tpu.memory_space<hbm>>
    %dma_start3A_61 = tpu.memref_squeeze %dma_start3A_60 : memref<1x16384xi32, #tpu.memory_space<hbm>> -> memref<16384xi32, #tpu.memory_space<hbm>>
    tpu.enqueue_dma source(%dma_start3A_61 : memref<16384xi32, #tpu.memory_space<hbm>>) target(%arg6 : memref<16384xi32, #tpu.memory_space<vmem>>) target_semaphore(%arg8 : memref<!tpu.dma_semaphore, #tpu.memory_space<semaphore_mem>>)
    %dma_wait3A = arith.constant 0 : i32
    %dma_wait3A_62 = tpu.memref_slice %arg2[%select_n3A_56, %dma_wait3A] : memref<26x16384xi32, #tpu.memory_space<hbm>> -> memref<1x16384xi32, #tpu.memory_space<hbm>>
    %dma_wait3A_63 = tpu.memref_squeeze %dma_wait3A_62 : memref<1x16384xi32, #tpu.memory_space<hbm>> -> memref<16384xi32, #tpu.memory_space<hbm>>
    %dma_wait3A_64 = arith.constant 0 : i32
    %dma_wait3A_65 = tpu.memref_slice %arg2[%select_n3A_56, %dma_wait3A_64] : memref<26x16384xi32, #tpu.memory_space<hbm>> -> memref<1x16384xi32, #tpu.memory_space<hbm>>
    %dma_wait3A_66 = tpu.memref_squeeze %dma_wait3A_65 : memref<1x16384xi32, #tpu.memory_space<hbm>> -> memref<16384xi32, #tpu.memory_space<hbm>>
    tpu.wait_dma2 semaphore(%arg8 : memref<!tpu.dma_semaphore, #tpu.memory_space<semaphore_mem>>) src(%dma_wait3A_66 : memref<16384xi32, #tpu.memory_space<hbm>>) dst(%arg6 : memref<16384xi32, #tpu.memory_space<vmem>>)
    %scan3A = arith.constant 0 : i32
    %scan3A_67 = arith.constant 0 : i32
    %scan3A_68 = arith.constant 52 : i32
    %scan3A_69 = arith.addi %scan3A_67, %scan3A_68 : i32
    %scan3A_70 = arith.constant 1 : i32
    scf.for %scan3A_108 = %scan3A_67 to %scan3A_69 step %scan3A_70  : i32 {
      %add3A_109 = arith.addi %mul3A_32, %scan3A_108 : i32
      %jit3A_110 = arith.constant 8 : i32
      %div3A_111 = arith.divsi %add3A_109, %jit3A_110 : i32
      %sign3A_112 = arith.constant 0 : i32
      %sign3A_113 = arith.cmpi sgt, %add3A_109, %sign3A_112 : i32
      %sign3A_114 = arith.extui %sign3A_113 : i1 to i32
      %sign3A_115 = arith.constant 0 : i32
      %sign3A_116 = arith.cmpi slt, %add3A_109, %sign3A_115 : i32
      %sign3A_117 = arith.extui %sign3A_116 : i1 to i32
      %sign3A_118 = arith.subi %sign3A_114, %sign3A_117 : i32
      %sign3A_119 = arith.constant 0 : i32
      %sign3A_120 = arith.cmpi sgt, %jit3A_110, %sign3A_119 : i32
      %sign3A_121 = arith.extui %sign3A_120 : i1 to i32
      %sign3A_122 = arith.constant 0 : i32
      %sign3A_123 = arith.cmpi slt, %jit3A_110, %sign3A_122 : i32
      %sign3A_124 = arith.extui %sign3A_123 : i1 to i32
      %sign3A_125 = arith.subi %sign3A_121, %sign3A_124 : i32
      %ne3A_126 = arith.cmpi ne, %sign3A_118, %sign3A_125 : i32
      %rem3A_127 = arith.remsi %add3A_109, %jit3A_110 : i32
      %ne3A_128 = arith.constant 0 : i32
      %ne3A_129 = arith.cmpi ne, %rem3A_127, %ne3A_128 : i32
      %and3A_130 = arith.andi %ne3A_126, %ne3A_129 : i1
      %sub3A_131 = arith.constant 1 : i32
      %sub3A_132 = arith.subi %div3A_111, %sub3A_131 : i32
      %select_n3A_133 = arith.select %and3A_130, %sub3A_132, %div3A_111 : i32
      %jit3A_134 = arith.constant 8 : i32
      %eq3A_135 = arith.constant 0 : i32
      %eq3A_136 = arith.cmpi eq, %jit3A_134, %eq3A_135 : i32
      %jit3A_137 = arith.constant 1 : i32
      %select_n3A_138 = arith.select %eq3A_136, %jit3A_137, %jit3A_134 : i32
      %rem3A_139 = arith.remsi %add3A_109, %select_n3A_138 : i32
      %ne3A_140 = arith.constant 0 : i32
      %ne3A_141 = arith.cmpi ne, %rem3A_139, %ne3A_140 : i32
      %lt3A_142 = arith.constant 0 : i32
      %lt3A_143 = arith.cmpi slt, %rem3A_139, %lt3A_142 : i32
      %lt3A_144 = arith.constant 0 : i32
      %lt3A_145 = arith.cmpi slt, %select_n3A_138, %lt3A_144 : i32
      %ne3A_146 = arith.xori %lt3A_143, %lt3A_145 : i1
      %and3A_147 = arith.andi %ne3A_146, %ne3A_141 : i1
      %add3A_148 = arith.addi %rem3A_139, %select_n3A_138 : i32
      %select_n3A_149 = arith.select %and3A_147, %add3A_148, %rem3A_139 : i32
      %mul3A_150 = arith.constant 8 : i32
      %mul3A_151 = arith.muli %select_n3A_149, %mul3A_150 : i32
      %add3A_152 = arith.addi %mul3A_151, %select_n3A_30 : i32
      %add3A_153 = arith.addi %mul3A_32, %scan3A_108 : i32
      %gt3A = arith.constant 0 : i32
      %gt3A_154 = arith.cmpi sgt, %scan3A_108, %gt3A : i32
      %jit3A_155 = arith.constant 8 : i32
      %eq3A_156 = arith.constant 0 : i32
      %eq3A_157 = arith.cmpi eq, %jit3A_155, %eq3A_156 : i32
      %jit3A_158 = arith.constant 1 : i32
      %select_n3A_159 = arith.select %eq3A_157, %jit3A_158, %jit3A_155 : i32
      %rem3A_160 = arith.remsi %add3A_109, %select_n3A_159 : i32
      %ne3A_161 = arith.constant 0 : i32
      %ne3A_162 = arith.cmpi ne, %rem3A_160, %ne3A_161 : i32
      %lt3A_163 = arith.constant 0 : i32
      %lt3A_164 = arith.cmpi slt, %rem3A_160, %lt3A_163 : i32
      %lt3A_165 = arith.constant 0 : i32
      %lt3A_166 = arith.cmpi slt, %select_n3A_159, %lt3A_165 : i32
      %ne3A_167 = arith.xori %lt3A_164, %lt3A_166 : i1
      %and3A_168 = arith.andi %ne3A_167, %ne3A_162 : i1
      %add3A_169 = arith.addi %rem3A_160, %select_n3A_159 : i32
      %select_n3A_170 = arith.select %and3A_168, %add3A_169, %rem3A_160 : i32
      %eq3A_171 = arith.constant 0 : i32
      %eq3A_172 = arith.cmpi eq, %select_n3A_170, %eq3A_171 : i32
      %and3A_173 = arith.andi %gt3A_154, %eq3A_172 : i1
      %convert_element_type3A = arith.extui %and3A_173 : i1 to i32
      %cond3A = arith.constant 0 : i32
      %cond3A_174 = arith.cmpi ne, %convert_element_type3A, %cond3A : i32
      scf.if %cond3A_174 {
        %dma_start3A_298 = arith.constant 0 : i32
        %dma_start3A_299 = tpu.memref_slice %arg2[%select_n3A_133, %dma_start3A_298] : memref<26x16384xi32, #tpu.memory_space<hbm>> -> memref<1x16384xi32, #tpu.memory_space<hbm>>
        %dma_start3A_300 = tpu.memref_squeeze %dma_start3A_299 : memref<1x16384xi32, #tpu.memory_space<hbm>> -> memref<16384xi32, #tpu.memory_space<hbm>>
        %dma_start3A_301 = arith.constant 0 : i32
        %dma_start3A_302 = tpu.memref_slice %arg2[%select_n3A_133, %dma_start3A_301] : memref<26x16384xi32, #tpu.memory_space<hbm>> -> memref<1x16384xi32, #tpu.memory_space<hbm>>
        %dma_start3A_303 = tpu.memref_squeeze %dma_start3A_302 : memref<1x16384xi32, #tpu.memory_space<hbm>> -> memref<16384xi32, #tpu.memory_space<hbm>>
        tpu.enqueue_dma source(%dma_start3A_303 : memref<16384xi32, #tpu.memory_space<hbm>>) target(%arg6 : memref<16384xi32, #tpu.memory_space<vmem>>) target_semaphore(%arg8 : memref<!tpu.dma_semaphore, #tpu.memory_space<semaphore_mem>>)
        %dma_wait3A_304 = arith.constant 0 : i32
        %dma_wait3A_305 = tpu.memref_slice %arg2[%select_n3A_133, %dma_wait3A_304] : memref<26x16384xi32, #tpu.memory_space<hbm>> -> memref<1x16384xi32, #tpu.memory_space<hbm>>
        %dma_wait3A_306 = tpu.memref_squeeze %dma_wait3A_305 : memref<1x16384xi32, #tpu.memory_space<hbm>> -> memref<16384xi32, #tpu.memory_space<hbm>>
        %dma_wait3A_307 = arith.constant 0 : i32
        %dma_wait3A_308 = tpu.memref_slice %arg2[%select_n3A_133, %dma_wait3A_307] : memref<26x16384xi32, #tpu.memory_space<hbm>> -> memref<1x16384xi32, #tpu.memory_space<hbm>>
        %dma_wait3A_309 = tpu.memref_squeeze %dma_wait3A_308 : memref<1x16384xi32, #tpu.memory_space<hbm>> -> memref<16384xi32, #tpu.memory_space<hbm>>
        tpu.wait_dma2 semaphore(%arg8 : memref<!tpu.dma_semaphore, #tpu.memory_space<semaphore_mem>>) src(%dma_wait3A_309 : memref<16384xi32, #tpu.memory_space<hbm>>) dst(%arg6 : memref<16384xi32, #tpu.memory_space<vmem>>)
      } else {
      }
      %dma_start3A_175 = arith.constant 0 : i32
      %dma_start3A_176 = tpu.memref_slice %arg3[%select_n3A_133, %add3A_152, %dma_start3A_175] : memref<26x64x100000xf32, #tpu.memory_space<hbm>> -> memref<1x1x100000xf32, #tpu.memory_space<hbm>>
      %dma_start3A_177 = tpu.memref_squeeze %dma_start3A_176 : memref<1x1x100000xf32, #tpu.memory_space<hbm>> -> memref<100000xf32, #tpu.memory_space<hbm>>
      %dma_start3A_178 = arith.constant 0 : i32
      %dma_start3A_179 = tpu.memref_slice %arg3[%select_n3A_133, %add3A_152, %dma_start3A_178] : memref<26x64x100000xf32, #tpu.memory_space<hbm>> -> memref<1x1x100000xf32, #tpu.memory_space<hbm>>
      %dma_start3A_180 = tpu.memref_squeeze %dma_start3A_179 : memref<1x1x100000xf32, #tpu.memory_space<hbm>> -> memref<100000xf32, #tpu.memory_space<hbm>>
      tpu.enqueue_dma source(%dma_start3A_180 : memref<100000xf32, #tpu.memory_space<hbm>>) target(%arg5 : memref<100000xf32, #tpu.memory_space<vmem>>) target_semaphore(%arg8 : memref<!tpu.dma_semaphore, #tpu.memory_space<semaphore_mem>>)
      %dma_wait3A_181 = arith.constant 0 : i32
      %dma_wait3A_182 = tpu.memref_slice %arg3[%select_n3A_133, %add3A_152, %dma_wait3A_181] : memref<26x64x100000xf32, #tpu.memory_space<hbm>> -> memref<1x1x100000xf32, #tpu.memory_space<hbm>>
      %dma_wait3A_183 = tpu.memref_squeeze %dma_wait3A_182 : memref<1x1x100000xf32, #tpu.memory_space<hbm>> -> memref<100000xf32, #tpu.memory_space<hbm>>
      %dma_wait3A_184 = arith.constant 0 : i32
      %dma_wait3A_185 = tpu.memref_slice %arg3[%select_n3A_133, %add3A_152, %dma_wait3A_184] : memref<26x64x100000xf32, #tpu.memory_space<hbm>> -> memref<1x1x100000xf32, #tpu.memory_space<hbm>>
      %dma_wait3A_186 = tpu.memref_squeeze %dma_wait3A_185 : memref<1x1x100000xf32, #tpu.memory_space<hbm>> -> memref<100000xf32, #tpu.memory_space<hbm>>
      tpu.wait_dma2 semaphore(%arg8 : memref<!tpu.dma_semaphore, #tpu.memory_space<semaphore_mem>>) src(%dma_wait3A_186 : memref<100000xf32, #tpu.memory_space<hbm>>) dst(%arg5 : memref<100000xf32, #tpu.memory_space<vmem>>)
      %gt3A_187 = arith.cmpi sgt, %add3A_153, %mul3A_32 : i32
      %or3A = arith.constant false
      %or3A_188 = arith.ori %gt3A_187, %or3A : i1
      %convert_element_type3A_189 = arith.extui %or3A_188 : i1 to i32
      %cond3A_190 = arith.constant 0 : i32
      %cond3A_191 = arith.cmpi ne, %convert_element_type3A_189, %cond3A_190 : i32
      scf.if %cond3A_191 {
        %dma_wait3A_298 = arith.constant 0 : i32
        %dma_wait3A_299 = arith.constant 0 : i32
        %dma_wait3A_300 = arith.constant 0 : i32
        %dma_wait3A_301 = tpu.memref_slice %arg7[%dma_wait3A_298, %dma_wait3A_300] : memref<2x4096xf32, #tpu.memory_space<vmem>> -> memref<1x4096xf32, #tpu.memory_space<vmem>>
        %dma_wait3A_302 = tpu.memref_squeeze %dma_wait3A_301 : memref<1x4096xf32, #tpu.memory_space<vmem>> -> memref<4096xf32, #tpu.memory_space<vmem>>
        %dma_wait3A_303 = arith.constant 0 : i32
        %dma_wait3A_304 = tpu.memref_slice %arg4[%select_n3A_133, %add3A_152, %dma_wait3A_303] : memref<26x64x16384xf32, #tpu.memory_space<hbm>> -> memref<1x1x4096xf32, #tpu.memory_space<hbm>>
        %dma_wait3A_305 = tpu.memref_squeeze %dma_wait3A_304 : memref<1x1x4096xf32, #tpu.memory_space<hbm>> -> memref<4096xf32, #tpu.memory_space<hbm>>
        %dma_wait3A_306 = tpu.memref_slice %arg9[%dma_wait3A_299] : memref<2x!tpu.dma_semaphore, #tpu.memory_space<semaphore_mem>> -> memref<1x!tpu.dma_semaphore, #tpu.memory_space<semaphore_mem>>
        %dma_wait3A_307 = tpu.memref_squeeze %dma_wait3A_306 : memref<1x!tpu.dma_semaphore, #tpu.memory_space<semaphore_mem>> -> memref<!tpu.dma_semaphore, #tpu.memory_space<semaphore_mem>>
        %dma_wait3A_308 = arith.constant 0 : i32
        %dma_wait3A_309 = tpu.memref_slice %arg4[%select_n3A_133, %add3A_152, %dma_wait3A_308] : memref<26x64x16384xf32, #tpu.memory_space<hbm>> -> memref<1x1x4096xf32, #tpu.memory_space<hbm>>
        %dma_wait3A_310 = tpu.memref_squeeze %dma_wait3A_309 : memref<1x1x4096xf32, #tpu.memory_space<hbm>> -> memref<4096xf32, #tpu.memory_space<hbm>>
        %dma_wait3A_311 = arith.constant 0 : i32
        %dma_wait3A_312 = tpu.memref_slice %arg7[%dma_wait3A_298, %dma_wait3A_311] : memref<2x4096xf32, #tpu.memory_space<vmem>> -> memref<1x4096xf32, #tpu.memory_space<vmem>>
        %dma_wait3A_313 = tpu.memref_squeeze %dma_wait3A_312 : memref<1x4096xf32, #tpu.memory_space<vmem>> -> memref<4096xf32, #tpu.memory_space<vmem>>
        tpu.wait_dma2 semaphore(%dma_wait3A_307 : memref<!tpu.dma_semaphore, #tpu.memory_space<semaphore_mem>>) src(%dma_wait3A_313 : memref<4096xf32, #tpu.memory_space<vmem>>) dst(%dma_wait3A_310 : memref<4096xf32, #tpu.memory_space<hbm>>)
      } else {
      }
      %scan3A_192 = arith.constant 0 : i32
      %scan3A_193 = arith.constant 0 : i32
      %scan3A_194 = arith.constant 256 : i32
      %scan3A_195 = arith.addi %scan3A_193, %scan3A_194 : i32
      %scan3A_196 = arith.constant 16 : i32
      scf.for %scan3A_298 = %scan3A_193 to %scan3A_195 step %scan3A_196  : i32 {
        %mul3A_299 = arith.constant 16 : i32
        %mul3A_300 = arith.muli %scan3A_298, %mul3A_299 : i32
        %add3A_301 = arith.constant 0 : i32
        %add3A_302 = arith.addi %add3A_301, %mul3A_300 : i32
        %get3A = arith.index_cast %add3A_302 : i32 to index
        %get3A_303 = tpu.vector_load %arg6[%get3A] {strides = array<i32>} : memref<16384xi32, #tpu.memory_space<vmem>>, vector<16xi32>,
        %gather3A = tpu.vector_load_idx %arg5[%get3A_303] : memref<100000xf32, #tpu.memory_space<vmem>>[vector<16xi32>], vector<16xf32>,
        %mul3A_304 = arith.constant 16 : i32
        %mul3A_305 = arith.muli %scan3A_298, %mul3A_304 : i32
        %swap3A = arith.constant 0 : i32
        %swap3A_306 = arith.index_cast %swap3A : i32 to index
        %swap3A_307 = arith.index_cast %mul3A_305 : i32 to index
        %swap3A_308 = tpu.vector_load %arg7[%swap3A_306, %swap3A_307] {strides = array<i32>} : memref<2x4096xf32, #tpu.memory_space<vmem>>, vector<16xf32>,
        tpu.vector_store %arg7[%swap3A_306, %swap3A_307], %gather3A {strides = array<i32>} : memref<2x4096xf32, #tpu.memory_space<vmem>>, vector<16xf32>,
        %scan3A_309 = arith.constant 1 : i32
        %scan3A_310 = arith.addi %scan3A_298, %scan3A_309 : i32
        %mul3A_311 = arith.constant 16 : i32
        %mul3A_312 = arith.muli %scan3A_310, %mul3A_311 : i32
        %add3A_313 = arith.constant 0 : i32
        %add3A_314 = arith.addi %add3A_313, %mul3A_312 : i32
        %get3A_315 = arith.index_cast %add3A_314 : i32 to index
        %get3A_316 = tpu.vector_load %arg6[%get3A_315] {strides = array<i32>} : memref<16384xi32, #tpu.memory_space<vmem>>, vector<16xi32>,
        %gather3A_317 = tpu.vector_load_idx %arg5[%get3A_316] : memref<100000xf32, #tpu.memory_space<vmem>>[vector<16xi32>], vector<16xf32>,
        %mul3A_318 = arith.constant 16 : i32
        %mul3A_319 = arith.muli %scan3A_310, %mul3A_318 : i32
        %swap3A_320 = arith.constant 0 : i32
        %swap3A_321 = arith.index_cast %swap3A_320 : i32 to index
        %swap3A_322 = arith.index_cast %mul3A_319 : i32 to index
        %swap3A_323 = tpu.vector_load %arg7[%swap3A_321, %swap3A_322] {strides = array<i32>} : memref<2x4096xf32, #tpu.memory_space<vmem>>, vector<16xf32>,
        tpu.vector_store %arg7[%swap3A_321, %swap3A_322], %gather3A_317 {strides = array<i32>} : memref<2x4096xf32, #tpu.memory_space<vmem>>, vector<16xf32>,
        %scan3A_324 = arith.constant 2 : i32
        %scan3A_325 = arith.addi %scan3A_298, %scan3A_324 : i32
        %mul3A_326 = arith.constant 16 : i32
        %mul3A_327 = arith.muli %scan3A_325, %mul3A_326 : i32
        %add3A_328 = arith.constant 0 : i32
        %add3A_329 = arith.addi %add3A_328, %mul3A_327 : i32
        %get3A_330 = arith.index_cast %add3A_329 : i32 to index
        %get3A_331 = tpu.vector_load %arg6[%get3A_330] {strides = array<i32>} : memref<16384xi32, #tpu.memory_space<vmem>>, vector<16xi32>,
        %gather3A_332 = tpu.vector_load_idx %arg5[%get3A_331] : memref<100000xf32, #tpu.memory_space<vmem>>[vector<16xi32>], vector<16xf32>,
        %mul3A_333 = arith.constant 16 : i32
        %mul3A_334 = arith.muli %scan3A_325, %mul3A_333 : i32
        %swap3A_335 = arith.constant 0 : i32
        %swap3A_336 = arith.index_cast %swap3A_335 : i32 to index
        %swap3A_337 = arith.index_cast %mul3A_334 : i32 to index
        %swap3A_338 = tpu.vector_load %arg7[%swap3A_336, %swap3A_337] {strides = array<i32>} : memref<2x4096xf32, #tpu.memory_space<vmem>>, vector<16xf32>,
        tpu.vector_store %arg7[%swap3A_336, %swap3A_337], %gather3A_332 {strides = array<i32>} : memref<2x4096xf32, #tpu.memory_space<vmem>>, vector<16xf32>,
        %scan3A_339 = arith.constant 3 : i32
        %scan3A_340 = arith.addi %scan3A_298, %scan3A_339 : i32
        %mul3A_341 = arith.constant 16 : i32
        %mul3A_342 = arith.muli %scan3A_340, %mul3A_341 : i32
        %add3A_343 = arith.constant 0 : i32
        %add3A_344 = arith.addi %add3A_343, %mul3A_342 : i32
        %get3A_345 = arith.index_cast %add3A_344 : i32 to index
        %get3A_346 = tpu.vector_load %arg6[%get3A_345] {strides = array<i32>} : memref<16384xi32, #tpu.memory_space<vmem>>, vector<16xi32>,
        %gather3A_347 = tpu.vector_load_idx %arg5[%get3A_346] : memref<100000xf32, #tpu.memory_space<vmem>>[vector<16xi32>], vector<16xf32>,
        %mul3A_348 = arith.constant 16 : i32
        %mul3A_349 = arith.muli %scan3A_340, %mul3A_348 : i32
        %swap3A_350 = arith.constant 0 : i32
        %swap3A_351 = arith.index_cast %swap3A_350 : i32 to index
        %swap3A_352 = arith.index_cast %mul3A_349 : i32 to index
        %swap3A_353 = tpu.vector_load %arg7[%swap3A_351, %swap3A_352] {strides = array<i32>} : memref<2x4096xf32, #tpu.memory_space<vmem>>, vector<16xf32>,
        tpu.vector_store %arg7[%swap3A_351, %swap3A_352], %gather3A_347 {strides = array<i32>} : memref<2x4096xf32, #tpu.memory_space<vmem>>, vector<16xf32>,
        %scan3A_354 = arith.constant 4 : i32
        %scan3A_355 = arith.addi %scan3A_298, %scan3A_354 : i32
        %mul3A_356 = arith.constant 16 : i32
        %mul3A_357 = arith.muli %scan3A_355, %mul3A_356 : i32
        %add3A_358 = arith.constant 0 : i32
        %add3A_359 = arith.addi %add3A_358, %mul3A_357 : i32
        %get3A_360 = arith.index_cast %add3A_359 : i32 to index
        %get3A_361 = tpu.vector_load %arg6[%get3A_360] {strides = array<i32>} : memref<16384xi32, #tpu.memory_space<vmem>>, vector<16xi32>,
        %gather3A_362 = tpu.vector_load_idx %arg5[%get3A_361] : memref<100000xf32, #tpu.memory_space<vmem>>[vector<16xi32>], vector<16xf32>,
        %mul3A_363 = arith.constant 16 : i32
        %mul3A_364 = arith.muli %scan3A_355, %mul3A_363 : i32
        %swap3A_365 = arith.constant 0 : i32
        %swap3A_366 = arith.index_cast %swap3A_365 : i32 to index
        %swap3A_367 = arith.index_cast %mul3A_364 : i32 to index
        %swap3A_368 = tpu.vector_load %arg7[%swap3A_366, %swap3A_367] {strides = array<i32>} : memref<2x4096xf32, #tpu.memory_space<vmem>>, vector<16xf32>,
        tpu.vector_store %arg7[%swap3A_366, %swap3A_367], %gather3A_362 {strides = array<i32>} : memref<2x4096xf32, #tpu.memory_space<vmem>>, vector<16xf32>,
        %scan3A_369 = arith.constant 5 : i32
        %scan3A_370 = arith.addi %scan3A_298, %scan3A_369 : i32
        %mul3A_371 = arith.constant 16 : i32
        %mul3A_372 = arith.muli %scan3A_370, %mul3A_371 : i32
        %add3A_373 = arith.constant 0 : i32
        %add3A_374 = arith.addi %add3A_373, %mul3A_372 : i32
        %get3A_375 = arith.index_cast %add3A_374 : i32 to index
        %get3A_376 = tpu.vector_load %arg6[%get3A_375] {strides = array<i32>} : memref<16384xi32, #tpu.memory_space<vmem>>, vector<16xi32>,
        %gather3A_377 = tpu.vector_load_idx %arg5[%get3A_376] : memref<100000xf32, #tpu.memory_space<vmem>>[vector<16xi32>], vector<16xf32>,
        %mul3A_378 = arith.constant 16 : i32
        %mul3A_379 = arith.muli %scan3A_370, %mul3A_378 : i32
        %swap3A_380 = arith.constant 0 : i32
        %swap3A_381 = arith.index_cast %swap3A_380 : i32 to index
        %swap3A_382 = arith.index_cast %mul3A_379 : i32 to index
        %swap3A_383 = tpu.vector_load %arg7[%swap3A_381, %swap3A_382] {strides = array<i32>} : memref<2x4096xf32, #tpu.memory_space<vmem>>, vector<16xf32>,
        tpu.vector_store %arg7[%swap3A_381, %swap3A_382], %gather3A_377 {strides = array<i32>} : memref<2x4096xf32, #tpu.memory_space<vmem>>, vector<16xf32>,
        %scan3A_384 = arith.constant 6 : i32
        %scan3A_385 = arith.addi %scan3A_298, %scan3A_384 : i32
        %mul3A_386 = arith.constant 16 : i32
        %mul3A_387 = arith.muli %scan3A_385, %mul3A_386 : i32
        %add3A_388 = arith.constant 0 : i32
        %add3A_389 = arith.addi %add3A_388, %mul3A_387 : i32
        %get3A_390 = arith.index_cast %add3A_389 : i32 to index
        %get3A_391 = tpu.vector_load %arg6[%get3A_390] {strides = array<i32>} : memref<16384xi32, #tpu.memory_space<vmem>>, vector<16xi32>,
        %gather3A_392 = tpu.vector_load_idx %arg5[%get3A_391] : memref<100000xf32, #tpu.memory_space<vmem>>[vector<16xi32>], vector<16xf32>,
        %mul3A_393 = arith.constant 16 : i32
        %mul3A_394 = arith.muli %scan3A_385, %mul3A_393 : i32
        %swap3A_395 = arith.constant 0 : i32
        %swap3A_396 = arith.index_cast %swap3A_395 : i32 to index
        %swap3A_397 = arith.index_cast %mul3A_394 : i32 to index
        %swap3A_398 = tpu.vector_load %arg7[%swap3A_396, %swap3A_397] {strides = array<i32>} : memref<2x4096xf32, #tpu.memory_space<vmem>>, vector<16xf32>,
        tpu.vector_store %arg7[%swap3A_396, %swap3A_397], %gather3A_392 {strides = array<i32>} : memref<2x4096xf32, #tpu.memory_space<vmem>>, vector<16xf32>,
        %scan3A_399 = arith.constant 7 : i32
        %scan3A_400 = arith.addi %scan3A_298, %scan3A_399 : i32
        %mul3A_401 = arith.constant 16 : i32
        %mul3A_402 = arith.muli %scan3A_400, %mul3A_401 : i32
        %add3A_403 = arith.constant 0 : i32
        %add3A_404 = arith.addi %add3A_403, %mul3A_402 : i32
        %get3A_405 = arith.index_cast %add3A_404 : i32 to index
        %get3A_406 = tpu.vector_load %arg6[%get3A_405] {strides = array<i32>} : memref<16384xi32, #tpu.memory_space<vmem>>, vector<16xi32>,
        %gather3A_407 = tpu.vector_load_idx %arg5[%get3A_406] : memref<100000xf32, #tpu.memory_space<vmem>>[vector<16xi32>], vector<16xf32>,
        %mul3A_408 = arith.constant 16 : i32
        %mul3A_409 = arith.muli %scan3A_400, %mul3A_408 : i32
        %swap3A_410 = arith.constant 0 : i32
        %swap3A_411 = arith.index_cast %swap3A_410 : i32 to index
        %swap3A_412 = arith.index_cast %mul3A_409 : i32 to index
        %swap3A_413 = tpu.vector_load %arg7[%swap3A_411, %swap3A_412] {strides = array<i32>} : memref<2x4096xf32, #tpu.memory_space<vmem>>, vector<16xf32>,
        tpu.vector_store %arg7[%swap3A_411, %swap3A_412], %gather3A_407 {strides = array<i32>} : memref<2x4096xf32, #tpu.memory_space<vmem>>, vector<16xf32>,
        %scan3A_414 = arith.constant 8 : i32
        %scan3A_415 = arith.addi %scan3A_298, %scan3A_414 : i32
        %mul3A_416 = arith.constant 16 : i32
        %mul3A_417 = arith.muli %scan3A_415, %mul3A_416 : i32
        %add3A_418 = arith.constant 0 : i32
        %add3A_419 = arith.addi %add3A_418, %mul3A_417 : i32
        %get3A_420 = arith.index_cast %add3A_419 : i32 to index
        %get3A_421 = tpu.vector_load %arg6[%get3A_420] {strides = array<i32>} : memref<16384xi32, #tpu.memory_space<vmem>>, vector<16xi32>,
        %gather3A_422 = tpu.vector_load_idx %arg5[%get3A_421] : memref<100000xf32, #tpu.memory_space<vmem>>[vector<16xi32>], vector<16xf32>,
        %mul3A_423 = arith.constant 16 : i32
        %mul3A_424 = arith.muli %scan3A_415, %mul3A_423 : i32
        %swap3A_425 = arith.constant 0 : i32
        %swap3A_426 = arith.index_cast %swap3A_425 : i32 to index
        %swap3A_427 = arith.index_cast %mul3A_424 : i32 to index
        %swap3A_428 = tpu.vector_load %arg7[%swap3A_426, %swap3A_427] {strides = array<i32>} : memref<2x4096xf32, #tpu.memory_space<vmem>>, vector<16xf32>,
        tpu.vector_store %arg7[%swap3A_426, %swap3A_427], %gather3A_422 {strides = array<i32>} : memref<2x4096xf32, #tpu.memory_space<vmem>>, vector<16xf32>,
        %scan3A_429 = arith.constant 9 : i32
        %scan3A_430 = arith.addi %scan3A_298, %scan3A_429 : i32
        %mul3A_431 = arith.constant 16 : i32
        %mul3A_432 = arith.muli %scan3A_430, %mul3A_431 : i32
        %add3A_433 = arith.constant 0 : i32
        %add3A_434 = arith.addi %add3A_433, %mul3A_432 : i32
        %get3A_435 = arith.index_cast %add3A_434 : i32 to index
        %get3A_436 = tpu.vector_load %arg6[%get3A_435] {strides = array<i32>} : memref<16384xi32, #tpu.memory_space<vmem>>, vector<16xi32>,
        %gather3A_437 = tpu.vector_load_idx %arg5[%get3A_436] : memref<100000xf32, #tpu.memory_space<vmem>>[vector<16xi32>], vector<16xf32>,
        %mul3A_438 = arith.constant 16 : i32
        %mul3A_439 = arith.muli %scan3A_430, %mul3A_438 : i32
        %swap3A_440 = arith.constant 0 : i32
        %swap3A_441 = arith.index_cast %swap3A_440 : i32 to index
        %swap3A_442 = arith.index_cast %mul3A_439 : i32 to index
        %swap3A_443 = tpu.vector_load %arg7[%swap3A_441, %swap3A_442] {strides = array<i32>} : memref<2x4096xf32, #tpu.memory_space<vmem>>, vector<16xf32>,
        tpu.vector_store %arg7[%swap3A_441, %swap3A_442], %gather3A_437 {strides = array<i32>} : memref<2x4096xf32, #tpu.memory_space<vmem>>, vector<16xf32>,
        %scan3A_444 = arith.constant 10 : i32
        %scan3A_445 = arith.addi %scan3A_298, %scan3A_444 : i32
        %mul3A_446 = arith.constant 16 : i32
        %mul3A_447 = arith.muli %scan3A_445, %mul3A_446 : i32
        %add3A_448 = arith.constant 0 : i32
        %add3A_449 = arith.addi %add3A_448, %mul3A_447 : i32
        %get3A_450 = arith.index_cast %add3A_449 : i32 to index
        %get3A_451 = tpu.vector_load %arg6[%get3A_450] {strides = array<i32>} : memref<16384xi32, #tpu.memory_space<vmem>>, vector<16xi32>,
        %gather3A_452 = tpu.vector_load_idx %arg5[%get3A_451] : memref<100000xf32, #tpu.memory_space<vmem>>[vector<16xi32>], vector<16xf32>,
        %mul3A_453 = arith.constant 16 : i32
        %mul3A_454 = arith.muli %scan3A_445, %mul3A_453 : i32
        %swap3A_455 = arith.constant 0 : i32
        %swap3A_456 = arith.index_cast %swap3A_455 : i32 to index
        %swap3A_457 = arith.index_cast %mul3A_454 : i32 to index
        %swap3A_458 = tpu.vector_load %arg7[%swap3A_456, %swap3A_457] {strides = array<i32>} : memref<2x4096xf32, #tpu.memory_space<vmem>>, vector<16xf32>,
        tpu.vector_store %arg7[%swap3A_456, %swap3A_457], %gather3A_452 {strides = array<i32>} : memref<2x4096xf32, #tpu.memory_space<vmem>>, vector<16xf32>,
        %scan3A_459 = arith.constant 11 : i32
        %scan3A_460 = arith.addi %scan3A_298, %scan3A_459 : i32
        %mul3A_461 = arith.constant 16 : i32
        %mul3A_462 = arith.muli %scan3A_460, %mul3A_461 : i32
        %add3A_463 = arith.constant 0 : i32
        %add3A_464 = arith.addi %add3A_463, %mul3A_462 : i32
        %get3A_465 = arith.index_cast %add3A_464 : i32 to index
        %get3A_466 = tpu.vector_load %arg6[%get3A_465] {strides = array<i32>} : memref<16384xi32, #tpu.memory_space<vmem>>, vector<16xi32>,
        %gather3A_467 = tpu.vector_load_idx %arg5[%get3A_466] : memref<100000xf32, #tpu.memory_space<vmem>>[vector<16xi32>], vector<16xf32>,
        %mul3A_468 = arith.constant 16 : i32
        %mul3A_469 = arith.muli %scan3A_460, %mul3A_468 : i32
        %swap3A_470 = arith.constant 0 : i32
        %swap3A_471 = arith.index_cast %swap3A_470 : i32 to index
        %swap3A_472 = arith.index_cast %mul3A_469 : i32 to index
        %swap3A_473 = tpu.vector_load %arg7[%swap3A_471, %swap3A_472] {strides = array<i32>} : memref<2x4096xf32, #tpu.memory_space<vmem>>, vector<16xf32>,
        tpu.vector_store %arg7[%swap3A_471, %swap3A_472], %gather3A_467 {strides = array<i32>} : memref<2x4096xf32, #tpu.memory_space<vmem>>, vector<16xf32>,
        %scan3A_474 = arith.constant 12 : i32
        %scan3A_475 = arith.addi %scan3A_298, %scan3A_474 : i32
        %mul3A_476 = arith.constant 16 : i32
        %mul3A_477 = arith.muli %scan3A_475, %mul3A_476 : i32
        %add3A_478 = arith.constant 0 : i32
        %add3A_479 = arith.addi %add3A_478, %mul3A_477 : i32
        %get3A_480 = arith.index_cast %add3A_479 : i32 to index
        %get3A_481 = tpu.vector_load %arg6[%get3A_480] {strides = array<i32>} : memref<16384xi32, #tpu.memory_space<vmem>>, vector<16xi32>,
        %gather3A_482 = tpu.vector_load_idx %arg5[%get3A_481] : memref<100000xf32, #tpu.memory_space<vmem>>[vector<16xi32>], vector<16xf32>,
        %mul3A_483 = arith.constant 16 : i32
        %mul3A_484 = arith.muli %scan3A_475, %mul3A_483 : i32
        %swap3A_485 = arith.constant 0 : i32
        %swap3A_486 = arith.index_cast %swap3A_485 : i32 to index
        %swap3A_487 = arith.index_cast %mul3A_484 : i32 to index
        %swap3A_488 = tpu.vector_load %arg7[%swap3A_486, %swap3A_487] {strides = array<i32>} : memref<2x4096xf32, #tpu.memory_space<vmem>>, vector<16xf32>,
        tpu.vector_store %arg7[%swap3A_486, %swap3A_487], %gather3A_482 {strides = array<i32>} : memref<2x4096xf32, #tpu.memory_space<vmem>>, vector<16xf32>,
        %scan3A_489 = arith.constant 13 : i32
        %scan3A_490 = arith.addi %scan3A_298, %scan3A_489 : i32
        %mul3A_491 = arith.constant 16 : i32
        %mul3A_492 = arith.muli %scan3A_490, %mul3A_491 : i32
        %add3A_493 = arith.constant 0 : i32
        %add3A_494 = arith.addi %add3A_493, %mul3A_492 : i32
        %get3A_495 = arith.index_cast %add3A_494 : i32 to index
        %get3A_496 = tpu.vector_load %arg6[%get3A_495] {strides = array<i32>} : memref<16384xi32, #tpu.memory_space<vmem>>, vector<16xi32>,
        %gather3A_497 = tpu.vector_load_idx %arg5[%get3A_496] : memref<100000xf32, #tpu.memory_space<vmem>>[vector<16xi32>], vector<16xf32>,
        %mul3A_498 = arith.constant 16 : i32
        %mul3A_499 = arith.muli %scan3A_490, %mul3A_498 : i32
        %swap3A_500 = arith.constant 0 : i32
        %swap3A_501 = arith.index_cast %swap3A_500 : i32 to index
        %swap3A_502 = arith.index_cast %mul3A_499 : i32 to index
        %swap3A_503 = tpu.vector_load %arg7[%swap3A_501, %swap3A_502] {strides = array<i32>} : memref<2x4096xf32, #tpu.memory_space<vmem>>, vector<16xf32>,
        tpu.vector_store %arg7[%swap3A_501, %swap3A_502], %gather3A_497 {strides = array<i32>} : memref<2x4096xf32, #tpu.memory_space<vmem>>, vector<16xf32>,
        %scan3A_504 = arith.constant 14 : i32
        %scan3A_505 = arith.addi %scan3A_298, %scan3A_504 : i32
        %mul3A_506 = arith.constant 16 : i32
        %mul3A_507 = arith.muli %scan3A_505, %mul3A_506 : i32
        %add3A_508 = arith.constant 0 : i32
        %add3A_509 = arith.addi %add3A_508, %mul3A_507 : i32
        %get3A_510 = arith.index_cast %add3A_509 : i32 to index
        %get3A_511 = tpu.vector_load %arg6[%get3A_510] {strides = array<i32>} : memref<16384xi32, #tpu.memory_space<vmem>>, vector<16xi32>,
        %gather3A_512 = tpu.vector_load_idx %arg5[%get3A_511] : memref<100000xf32, #tpu.memory_space<vmem>>[vector<16xi32>], vector<16xf32>,
        %mul3A_513 = arith.constant 16 : i32
        %mul3A_514 = arith.muli %scan3A_505, %mul3A_513 : i32
        %swap3A_515 = arith.constant 0 : i32
        %swap3A_516 = arith.index_cast %swap3A_515 : i32 to index
        %swap3A_517 = arith.index_cast %mul3A_514 : i32 to index
        %swap3A_518 = tpu.vector_load %arg7[%swap3A_516, %swap3A_517] {strides = array<i32>} : memref<2x4096xf32, #tpu.memory_space<vmem>>, vector<16xf32>,
        tpu.vector_store %arg7[%swap3A_516, %swap3A_517], %gather3A_512 {strides = array<i32>} : memref<2x4096xf32, #tpu.memory_space<vmem>>, vector<16xf32>,
        %scan3A_519 = arith.constant 15 : i32
        %scan3A_520 = arith.addi %scan3A_298, %scan3A_519 : i32
        %mul3A_521 = arith.constant 16 : i32
        %mul3A_522 = arith.muli %scan3A_520, %mul3A_521 : i32
        %add3A_523 = arith.constant 0 : i32
        %add3A_524 = arith.addi %add3A_523, %mul3A_522 : i32
        %get3A_525 = arith.index_cast %add3A_524 : i32 to index
        %get3A_526 = tpu.vector_load %arg6[%get3A_525] {strides = array<i32>} : memref<16384xi32, #tpu.memory_space<vmem>>, vector<16xi32>,
        %gather3A_527 = tpu.vector_load_idx %arg5[%get3A_526] : memref<100000xf32, #tpu.memory_space<vmem>>[vector<16xi32>], vector<16xf32>,
        %mul3A_528 = arith.constant 16 : i32
        %mul3A_529 = arith.muli %scan3A_520, %mul3A_528 : i32
        %swap3A_530 = arith.constant 0 : i32
        %swap3A_531 = arith.index_cast %swap3A_530 : i32 to index
        %swap3A_532 = arith.index_cast %mul3A_529 : i32 to index
        %swap3A_533 = tpu.vector_load %arg7[%swap3A_531, %swap3A_532] {strides = array<i32>} : memref<2x4096xf32, #tpu.memory_space<vmem>>, vector<16xf32>,
        tpu.vector_store %arg7[%swap3A_531, %swap3A_532], %gather3A_527 {strides = array<i32>} : memref<2x4096xf32, #tpu.memory_space<vmem>>, vector<16xf32>,
      }
      %scan3A_197 = arith.constant 256 : i32
      %dma_start3A_198 = arith.constant 0 : i32
      %dma_start3A_199 = arith.constant 0 : i32
      %dma_start3A_200 = arith.constant 0 : i32
      %dma_start3A_201 = tpu.memref_slice %arg7[%dma_start3A_198, %dma_start3A_200] : memref<2x4096xf32, #tpu.memory_space<vmem>> -> memref<1x4096xf32, #tpu.memory_space<vmem>>
      %dma_start3A_202 = tpu.memref_squeeze %dma_start3A_201 : memref<1x4096xf32, #tpu.memory_space<vmem>> -> memref<4096xf32, #tpu.memory_space<vmem>>
      %dma_start3A_203 = arith.constant 0 : i32
      %dma_start3A_204 = tpu.memref_slice %arg4[%select_n3A_133, %add3A_152, %dma_start3A_203] : memref<26x64x16384xf32, #tpu.memory_space<hbm>> -> memref<1x1x4096xf32, #tpu.memory_space<hbm>>
      %dma_start3A_205 = tpu.memref_squeeze %dma_start3A_204 : memref<1x1x4096xf32, #tpu.memory_space<hbm>> -> memref<4096xf32, #tpu.memory_space<hbm>>
      %dma_start3A_206 = tpu.memref_slice %arg9[%dma_start3A_199] : memref<2x!tpu.dma_semaphore, #tpu.memory_space<semaphore_mem>> -> memref<1x!tpu.dma_semaphore, #tpu.memory_space<semaphore_mem>>
      %dma_start3A_207 = tpu.memref_squeeze %dma_start3A_206 : memref<1x!tpu.dma_semaphore, #tpu.memory_space<semaphore_mem>> -> memref<!tpu.dma_semaphore, #tpu.memory_space<semaphore_mem>>
      %dma_start3A_208 = arith.constant 0 : i32
      %dma_start3A_209 = tpu.memref_slice %arg4[%select_n3A_133, %add3A_152, %dma_start3A_208] : memref<26x64x16384xf32, #tpu.memory_space<hbm>> -> memref<1x1x4096xf32, #tpu.memory_space<hbm>>
      %dma_start3A_210 = tpu.memref_squeeze %dma_start3A_209 : memref<1x1x4096xf32, #tpu.memory_space<hbm>> -> memref<4096xf32, #tpu.memory_space<hbm>>
      %dma_start3A_211 = arith.constant 0 : i32
      %dma_start3A_212 = tpu.memref_slice %arg7[%dma_start3A_198, %dma_start3A_211] : memref<2x4096xf32, #tpu.memory_space<vmem>> -> memref<1x4096xf32, #tpu.memory_space<vmem>>
      %dma_start3A_213 = tpu.memref_squeeze %dma_start3A_212 : memref<1x4096xf32, #tpu.memory_space<vmem>> -> memref<4096xf32, #tpu.memory_space<vmem>>
      tpu.enqueue_dma source(%dma_start3A_213 : memref<4096xf32, #tpu.memory_space<vmem>>) target(%dma_start3A_210 : memref<4096xf32, #tpu.memory_space<hbm>>) target_semaphore(%dma_start3A_207 : memref<!tpu.dma_semaphore, #tpu.memory_space<semaphore_mem>>)
      %gt3A_214 = arith.cmpi sgt, %add3A_153, %mul3A_32 : i32
      %or3A_215 = arith.constant false
      %or3A_216 = arith.ori %gt3A_214, %or3A_215 : i1
      %convert_element_type3A_217 = arith.extui %or3A_216 : i1 to i32
      %cond3A_218 = arith.constant 0 : i32
      %cond3A_219 = arith.cmpi ne, %convert_element_type3A_217, %cond3A_218 : i32
      scf.if %cond3A_219 {
        %dma_wait3A_298 = arith.constant 1 : i32
        %dma_wait3A_299 = arith.constant 1 : i32
        %dma_wait3A_300 = arith.constant 0 : i32
        %dma_wait3A_301 = tpu.memref_slice %arg7[%dma_wait3A_298, %dma_wait3A_300] : memref<2x4096xf32, #tpu.memory_space<vmem>> -> memref<1x4096xf32, #tpu.memory_space<vmem>>
        %dma_wait3A_302 = tpu.memref_squeeze %dma_wait3A_301 : memref<1x4096xf32, #tpu.memory_space<vmem>> -> memref<4096xf32, #tpu.memory_space<vmem>>
        %dma_wait3A_303 = arith.constant 0 : i32
        %dma_wait3A_304 = tpu.memref_slice %arg4[%select_n3A_133, %add3A_152, %dma_wait3A_303] : memref<26x64x16384xf32, #tpu.memory_space<hbm>> -> memref<1x1x4096xf32, #tpu.memory_space<hbm>>
        %dma_wait3A_305 = tpu.memref_squeeze %dma_wait3A_304 : memref<1x1x4096xf32, #tpu.memory_space<hbm>> -> memref<4096xf32, #tpu.memory_space<hbm>>
        %dma_wait3A_306 = tpu.memref_slice %arg9[%dma_wait3A_299] : memref<2x!tpu.dma_semaphore, #tpu.memory_space<semaphore_mem>> -> memref<1x!tpu.dma_semaphore, #tpu.memory_space<semaphore_mem>>
        %dma_wait3A_307 = tpu.memref_squeeze %dma_wait3A_306 : memref<1x!tpu.dma_semaphore, #tpu.memory_space<semaphore_mem>> -> memref<!tpu.dma_semaphore, #tpu.memory_space<semaphore_mem>>
        %dma_wait3A_308 = arith.constant 0 : i32
        %dma_wait3A_309 = tpu.memref_slice %arg4[%select_n3A_133, %add3A_152, %dma_wait3A_308] : memref<26x64x16384xf32, #tpu.memory_space<hbm>> -> memref<1x1x4096xf32, #tpu.memory_space<hbm>>
        %dma_wait3A_310 = tpu.memref_squeeze %dma_wait3A_309 : memref<1x1x4096xf32, #tpu.memory_space<hbm>> -> memref<4096xf32, #tpu.memory_space<hbm>>
        %dma_wait3A_311 = arith.constant 0 : i32
        %dma_wait3A_312 = tpu.memref_slice %arg7[%dma_wait3A_298, %dma_wait3A_311] : memref<2x4096xf32, #tpu.memory_space<vmem>> -> memref<1x4096xf32, #tpu.memory_space<vmem>>
        %dma_wait3A_313 = tpu.memref_squeeze %dma_wait3A_312 : memref<1x4096xf32, #tpu.memory_space<vmem>> -> memref<4096xf32, #tpu.memory_space<vmem>>
        tpu.wait_dma2 semaphore(%dma_wait3A_307 : memref<!tpu.dma_semaphore, #tpu.memory_space<semaphore_mem>>) src(%dma_wait3A_313 : memref<4096xf32, #tpu.memory_space<vmem>>) dst(%dma_wait3A_310 : memref<4096xf32, #tpu.memory_space<hbm>>)
      } else {
      }
      %scan3A_220 = arith.constant 0 : i32
      %scan3A_221 = arith.constant 0 : i32
      %scan3A_222 = arith.constant 256 : i32
      %scan3A_223 = arith.addi %scan3A_221, %scan3A_222 : i32
      %scan3A_224 = arith.constant 16 : i32
      scf.for %scan3A_298 = %scan3A_221 to %scan3A_223 step %scan3A_224  : i32 {
        %mul3A_299 = arith.constant 16 : i32
        %mul3A_300 = arith.muli %scan3A_298, %mul3A_299 : i32
        %add3A_301 = arith.constant 4096 : i32
        %add3A_302 = arith.addi %add3A_301, %mul3A_300 : i32
        %get3A = arith.index_cast %add3A_302 : i32 to index
        %get3A_303 = tpu.vector_load %arg6[%get3A] {strides = array<i32>} : memref<16384xi32, #tpu.memory_space<vmem>>, vector<16xi32>,
        %gather3A = tpu.vector_load_idx %arg5[%get3A_303] : memref<100000xf32, #tpu.memory_space<vmem>>[vector<16xi32>], vector<16xf32>,
        %mul3A_304 = arith.constant 16 : i32
        %mul3A_305 = arith.muli %scan3A_298, %mul3A_304 : i32
        %swap3A = arith.constant 1 : i32
        %swap3A_306 = arith.index_cast %swap3A : i32 to index
        %swap3A_307 = arith.index_cast %mul3A_305 : i32 to index
        %swap3A_308 = tpu.vector_load %arg7[%swap3A_306, %swap3A_307] {strides = array<i32>} : memref<2x4096xf32, #tpu.memory_space<vmem>>, vector<16xf32>,
        tpu.vector_store %arg7[%swap3A_306, %swap3A_307], %gather3A {strides = array<i32>} : memref<2x4096xf32, #tpu.memory_space<vmem>>, vector<16xf32>,
        %scan3A_309 = arith.constant 1 : i32
        %scan3A_310 = arith.addi %scan3A_298, %scan3A_309 : i32
        %mul3A_311 = arith.constant 16 : i32
        %mul3A_312 = arith.muli %scan3A_310, %mul3A_311 : i32
        %add3A_313 = arith.constant 4096 : i32
        %add3A_314 = arith.addi %add3A_313, %mul3A_312 : i32
        %get3A_315 = arith.index_cast %add3A_314 : i32 to index
        %get3A_316 = tpu.vector_load %arg6[%get3A_315] {strides = array<i32>} : memref<16384xi32, #tpu.memory_space<vmem>>, vector<16xi32>,
        %gather3A_317 = tpu.vector_load_idx %arg5[%get3A_316] : memref<100000xf32, #tpu.memory_space<vmem>>[vector<16xi32>], vector<16xf32>,
        %mul3A_318 = arith.constant 16 : i32
        %mul3A_319 = arith.muli %scan3A_310, %mul3A_318 : i32
        %swap3A_320 = arith.constant 1 : i32
        %swap3A_321 = arith.index_cast %swap3A_320 : i32 to index
        %swap3A_322 = arith.index_cast %mul3A_319 : i32 to index
        %swap3A_323 = tpu.vector_load %arg7[%swap3A_321, %swap3A_322] {strides = array<i32>} : memref<2x4096xf32, #tpu.memory_space<vmem>>, vector<16xf32>,
        tpu.vector_store %arg7[%swap3A_321, %swap3A_322], %gather3A_317 {strides = array<i32>} : memref<2x4096xf32, #tpu.memory_space<vmem>>, vector<16xf32>,
        %scan3A_324 = arith.constant 2 : i32
        %scan3A_325 = arith.addi %scan3A_298, %scan3A_324 : i32
        %mul3A_326 = arith.constant 16 : i32
        %mul3A_327 = arith.muli %scan3A_325, %mul3A_326 : i32
        %add3A_328 = arith.constant 4096 : i32
        %add3A_329 = arith.addi %add3A_328, %mul3A_327 : i32
        %get3A_330 = arith.index_cast %add3A_329 : i32 to index
        %get3A_331 = tpu.vector_load %arg6[%get3A_330] {strides = array<i32>} : memref<16384xi32, #tpu.memory_space<vmem>>, vector<16xi32>,
        %gather3A_332 = tpu.vector_load_idx %arg5[%get3A_331] : memref<100000xf32, #tpu.memory_space<vmem>>[vector<16xi32>], vector<16xf32>,
        %mul3A_333 = arith.constant 16 : i32
        %mul3A_334 = arith.muli %scan3A_325, %mul3A_333 : i32
        %swap3A_335 = arith.constant 1 : i32
        %swap3A_336 = arith.index_cast %swap3A_335 : i32 to index
        %swap3A_337 = arith.index_cast %mul3A_334 : i32 to index
        %swap3A_338 = tpu.vector_load %arg7[%swap3A_336, %swap3A_337] {strides = array<i32>} : memref<2x4096xf32, #tpu.memory_space<vmem>>, vector<16xf32>,
        tpu.vector_store %arg7[%swap3A_336, %swap3A_337], %gather3A_332 {strides = array<i32>} : memref<2x4096xf32, #tpu.memory_space<vmem>>, vector<16xf32>,
        %scan3A_339 = arith.constant 3 : i32
        %scan3A_340 = arith.addi %scan3A_298, %scan3A_339 : i32
        %mul3A_341 = arith.constant 16 : i32
        %mul3A_342 = arith.muli %scan3A_340, %mul3A_341 : i32
        %add3A_343 = arith.constant 4096 : i32
        %add3A_344 = arith.addi %add3A_343, %mul3A_342 : i32
        %get3A_345 = arith.index_cast %add3A_344 : i32 to index
        %get3A_346 = tpu.vector_load %arg6[%get3A_345] {strides = array<i32>} : memref<16384xi32, #tpu.memory_space<vmem>>, vector<16xi32>,
        %gather3A_347 = tpu.vector_load_idx %arg5[%get3A_346] : memref<100000xf32, #tpu.memory_space<vmem>>[vector<16xi32>], vector<16xf32>,
        %mul3A_348 = arith.constant 16 : i32
        %mul3A_349 = arith.muli %scan3A_340, %mul3A_348 : i32
        %swap3A_350 = arith.constant 1 : i32
        %swap3A_351 = arith.index_cast %swap3A_350 : i32 to index
        %swap3A_352 = arith.index_cast %mul3A_349 : i32 to index
        %swap3A_353 = tpu.vector_load %arg7[%swap3A_351, %swap3A_352] {strides = array<i32>} : memref<2x4096xf32, #tpu.memory_space<vmem>>, vector<16xf32>,
        tpu.vector_store %arg7[%swap3A_351, %swap3A_352], %gather3A_347 {strides = array<i32>} : memref<2x4096xf32, #tpu.memory_space<vmem>>, vector<16xf32>,
        %scan3A_354 = arith.constant 4 : i32
        %scan3A_355 = arith.addi %scan3A_298, %scan3A_354 : i32
        %mul3A_356 = arith.constant 16 : i32
        %mul3A_357 = arith.muli %scan3A_355, %mul3A_356 : i32
        %add3A_358 = arith.constant 4096 : i32
        %add3A_359 = arith.addi %add3A_358, %mul3A_357 : i32
        %get3A_360 = arith.index_cast %add3A_359 : i32 to index
        %get3A_361 = tpu.vector_load %arg6[%get3A_360] {strides = array<i32>} : memref<16384xi32, #tpu.memory_space<vmem>>, vector<16xi32>,
        %gather3A_362 = tpu.vector_load_idx %arg5[%get3A_361] : memref<100000xf32, #tpu.memory_space<vmem>>[vector<16xi32>], vector<16xf32>,
        %mul3A_363 = arith.constant 16 : i32
        %mul3A_364 = arith.muli %scan3A_355, %mul3A_363 : i32
        %swap3A_365 = arith.constant 1 : i32
        %swap3A_366 = arith.index_cast %swap3A_365 : i32 to index
        %swap3A_367 = arith.index_cast %mul3A_364 : i32 to index
        %swap3A_368 = tpu.vector_load %arg7[%swap3A_366, %swap3A_367] {strides = array<i32>} : memref<2x4096xf32, #tpu.memory_space<vmem>>, vector<16xf32>,
        tpu.vector_store %arg7[%swap3A_366, %swap3A_367], %gather3A_362 {strides = array<i32>} : memref<2x4096xf32, #tpu.memory_space<vmem>>, vector<16xf32>,
        %scan3A_369 = arith.constant 5 : i32
        %scan3A_370 = arith.addi %scan3A_298, %scan3A_369 : i32
        %mul3A_371 = arith.constant 16 : i32
        %mul3A_372 = arith.muli %scan3A_370, %mul3A_371 : i32
        %add3A_373 = arith.constant 4096 : i32
        %add3A_374 = arith.addi %add3A_373, %mul3A_372 : i32
        %get3A_375 = arith.index_cast %add3A_374 : i32 to index
        %get3A_376 = tpu.vector_load %arg6[%get3A_375] {strides = array<i32>} : memref<16384xi32, #tpu.memory_space<vmem>>, vector<16xi32>,
        %gather3A_377 = tpu.vector_load_idx %arg5[%get3A_376] : memref<100000xf32, #tpu.memory_space<vmem>>[vector<16xi32>], vector<16xf32>,
        %mul3A_378 = arith.constant 16 : i32
        %mul3A_379 = arith.muli %scan3A_370, %mul3A_378 : i32
        %swap3A_380 = arith.constant 1 : i32
        %swap3A_381 = arith.index_cast %swap3A_380 : i32 to index
        %swap3A_382 = arith.index_cast %mul3A_379 : i32 to index
        %swap3A_383 = tpu.vector_load %arg7[%swap3A_381, %swap3A_382] {strides = array<i32>} : memref<2x4096xf32, #tpu.memory_space<vmem>>, vector<16xf32>,
        tpu.vector_store %arg7[%swap3A_381, %swap3A_382], %gather3A_377 {strides = array<i32>} : memref<2x4096xf32, #tpu.memory_space<vmem>>, vector<16xf32>,
        %scan3A_384 = arith.constant 6 : i32
        %scan3A_385 = arith.addi %scan3A_298, %scan3A_384 : i32
        %mul3A_386 = arith.constant 16 : i32
        %mul3A_387 = arith.muli %scan3A_385, %mul3A_386 : i32
        %add3A_388 = arith.constant 4096 : i32
        %add3A_389 = arith.addi %add3A_388, %mul3A_387 : i32
        %get3A_390 = arith.index_cast %add3A_389 : i32 to index
        %get3A_391 = tpu.vector_load %arg6[%get3A_390] {strides = array<i32>} : memref<16384xi32, #tpu.memory_space<vmem>>, vector<16xi32>,
        %gather3A_392 = tpu.vector_load_idx %arg5[%get3A_391] : memref<100000xf32, #tpu.memory_space<vmem>>[vector<16xi32>], vector<16xf32>,
        %mul3A_393 = arith.constant 16 : i32
        %mul3A_394 = arith.muli %scan3A_385, %mul3A_393 : i32
        %swap3A_395 = arith.constant 1 : i32
        %swap3A_396 = arith.index_cast %swap3A_395 : i32 to index
        %swap3A_397 = arith.index_cast %mul3A_394 : i32 to index
        %swap3A_398 = tpu.vector_load %arg7[%swap3A_396, %swap3A_397] {strides = array<i32>} : memref<2x4096xf32, #tpu.memory_space<vmem>>, vector<16xf32>,
        tpu.vector_store %arg7[%swap3A_396, %swap3A_397], %gather3A_392 {strides = array<i32>} : memref<2x4096xf32, #tpu.memory_space<vmem>>, vector<16xf32>,
        %scan3A_399 = arith.constant 7 : i32
        %scan3A_400 = arith.addi %scan3A_298, %scan3A_399 : i32
        %mul3A_401 = arith.constant 16 : i32
        %mul3A_402 = arith.muli %scan3A_400, %mul3A_401 : i32
        %add3A_403 = arith.constant 4096 : i32
        %add3A_404 = arith.addi %add3A_403, %mul3A_402 : i32
        %get3A_405 = arith.index_cast %add3A_404 : i32 to index
        %get3A_406 = tpu.vector_load %arg6[%get3A_405] {strides = array<i32>} : memref<16384xi32, #tpu.memory_space<vmem>>, vector<16xi32>,
        %gather3A_407 = tpu.vector_load_idx %arg5[%get3A_406] : memref<100000xf32, #tpu.memory_space<vmem>>[vector<16xi32>], vector<16xf32>,
        %mul3A_408 = arith.constant 16 : i32
        %mul3A_409 = arith.muli %scan3A_400, %mul3A_408 : i32
        %swap3A_410 = arith.constant 1 : i32
        %swap3A_411 = arith.index_cast %swap3A_410 : i32 to index
        %swap3A_412 = arith.index_cast %mul3A_409 : i32 to index
        %swap3A_413 = tpu.vector_load %arg7[%swap3A_411, %swap3A_412] {strides = array<i32>} : memref<2x4096xf32, #tpu.memory_space<vmem>>, vector<16xf32>,
        tpu.vector_store %arg7[%swap3A_411, %swap3A_412], %gather3A_407 {strides = array<i32>} : memref<2x4096xf32, #tpu.memory_space<vmem>>, vector<16xf32>,
        %scan3A_414 = arith.constant 8 : i32
        %scan3A_415 = arith.addi %scan3A_298, %scan3A_414 : i32
        %mul3A_416 = arith.constant 16 : i32
        %mul3A_417 = arith.muli %scan3A_415, %mul3A_416 : i32
        %add3A_418 = arith.constant 4096 : i32
        %add3A_419 = arith.addi %add3A_418, %mul3A_417 : i32
        %get3A_420 = arith.index_cast %add3A_419 : i32 to index
        %get3A_421 = tpu.vector_load %arg6[%get3A_420] {strides = array<i32>} : memref<16384xi32, #tpu.memory_space<vmem>>, vector<16xi32>,
        %gather3A_422 = tpu.vector_load_idx %arg5[%get3A_421] : memref<100000xf32, #tpu.memory_space<vmem>>[vector<16xi32>], vector<16xf32>,
        %mul3A_423 = arith.constant 16 : i32
        %mul3A_424 = arith.muli %scan3A_415, %mul3A_423 : i32
        %swap3A_425 = arith.constant 1 : i32
        %swap3A_426 = arith.index_cast %swap3A_425 : i32 to index
        %swap3A_427 = arith.index_cast %mul3A_424 : i32 to index
        %swap3A_428 = tpu.vector_load %arg7[%swap3A_426, %swap3A_427] {strides = array<i32>} : memref<2x4096xf32, #tpu.memory_space<vmem>>, vector<16xf32>,
        tpu.vector_store %arg7[%swap3A_426, %swap3A_427], %gather3A_422 {strides = array<i32>} : memref<2x4096xf32, #tpu.memory_space<vmem>>, vector<16xf32>,
        %scan3A_429 = arith.constant 9 : i32
        %scan3A_430 = arith.addi %scan3A_298, %scan3A_429 : i32
        %mul3A_431 = arith.constant 16 : i32
        %mul3A_432 = arith.muli %scan3A_430, %mul3A_431 : i32
        %add3A_433 = arith.constant 4096 : i32
        %add3A_434 = arith.addi %add3A_433, %mul3A_432 : i32
        %get3A_435 = arith.index_cast %add3A_434 : i32 to index
        %get3A_436 = tpu.vector_load %arg6[%get3A_435] {strides = array<i32>} : memref<16384xi32, #tpu.memory_space<vmem>>, vector<16xi32>,
        %gather3A_437 = tpu.vector_load_idx %arg5[%get3A_436] : memref<100000xf32, #tpu.memory_space<vmem>>[vector<16xi32>], vector<16xf32>,
        %mul3A_438 = arith.constant 16 : i32
        %mul3A_439 = arith.muli %scan3A_430, %mul3A_438 : i32
        %swap3A_440 = arith.constant 1 : i32
        %swap3A_441 = arith.index_cast %swap3A_440 : i32 to index
        %swap3A_442 = arith.index_cast %mul3A_439 : i32 to index
        %swap3A_443 = tpu.vector_load %arg7[%swap3A_441, %swap3A_442] {strides = array<i32>} : memref<2x4096xf32, #tpu.memory_space<vmem>>, vector<16xf32>,
        tpu.vector_store %arg7[%swap3A_441, %swap3A_442], %gather3A_437 {strides = array<i32>} : memref<2x4096xf32, #tpu.memory_space<vmem>>, vector<16xf32>,
        %scan3A_444 = arith.constant 10 : i32
        %scan3A_445 = arith.addi %scan3A_298, %scan3A_444 : i32
        %mul3A_446 = arith.constant 16 : i32
        %mul3A_447 = arith.muli %scan3A_445, %mul3A_446 : i32
        %add3A_448 = arith.constant 4096 : i32
        %add3A_449 = arith.addi %add3A_448, %mul3A_447 : i32
        %get3A_450 = arith.index_cast %add3A_449 : i32 to index
        %get3A_451 = tpu.vector_load %arg6[%get3A_450] {strides = array<i32>} : memref<16384xi32, #tpu.memory_space<vmem>>, vector<16xi32>,
        %gather3A_452 = tpu.vector_load_idx %arg5[%get3A_451] : memref<100000xf32, #tpu.memory_space<vmem>>[vector<16xi32>], vector<16xf32>,
        %mul3A_453 = arith.constant 16 : i32
        %mul3A_454 = arith.muli %scan3A_445, %mul3A_453 : i32
        %swap3A_455 = arith.constant 1 : i32
        %swap3A_456 = arith.index_cast %swap3A_455 : i32 to index
        %swap3A_457 = arith.index_cast %mul3A_454 : i32 to index
        %swap3A_458 = tpu.vector_load %arg7[%swap3A_456, %swap3A_457] {strides = array<i32>} : memref<2x4096xf32, #tpu.memory_space<vmem>>, vector<16xf32>,
        tpu.vector_store %arg7[%swap3A_456, %swap3A_457], %gather3A_452 {strides = array<i32>} : memref<2x4096xf32, #tpu.memory_space<vmem>>, vector<16xf32>,
        %scan3A_459 = arith.constant 11 : i32
        %scan3A_460 = arith.addi %scan3A_298, %scan3A_459 : i32
        %mul3A_461 = arith.constant 16 : i32
        %mul3A_462 = arith.muli %scan3A_460, %mul3A_461 : i32
        %add3A_463 = arith.constant 4096 : i32
        %add3A_464 = arith.addi %add3A_463, %mul3A_462 : i32
        %get3A_465 = arith.index_cast %add3A_464 : i32 to index
        %get3A_466 = tpu.vector_load %arg6[%get3A_465] {strides = array<i32>} : memref<16384xi32, #tpu.memory_space<vmem>>, vector<16xi32>,
        %gather3A_467 = tpu.vector_load_idx %arg5[%get3A_466] : memref<100000xf32, #tpu.memory_space<vmem>>[vector<16xi32>], vector<16xf32>,
        %mul3A_468 = arith.constant 16 : i32
        %mul3A_469 = arith.muli %scan3A_460, %mul3A_468 : i32
        %swap3A_470 = arith.constant 1 : i32
        %swap3A_471 = arith.index_cast %swap3A_470 : i32 to index
        %swap3A_472 = arith.index_cast %mul3A_469 : i32 to index
        %swap3A_473 = tpu.vector_load %arg7[%swap3A_471, %swap3A_472] {strides = array<i32>} : memref<2x4096xf32, #tpu.memory_space<vmem>>, vector<16xf32>,
        tpu.vector_store %arg7[%swap3A_471, %swap3A_472], %gather3A_467 {strides = array<i32>} : memref<2x4096xf32, #tpu.memory_space<vmem>>, vector<16xf32>,
        %scan3A_474 = arith.constant 12 : i32
        %scan3A_475 = arith.addi %scan3A_298, %scan3A_474 : i32
        %mul3A_476 = arith.constant 16 : i32
        %mul3A_477 = arith.muli %scan3A_475, %mul3A_476 : i32
        %add3A_478 = arith.constant 4096 : i32
        %add3A_479 = arith.addi %add3A_478, %mul3A_477 : i32
        %get3A_480 = arith.index_cast %add3A_479 : i32 to index
        %get3A_481 = tpu.vector_load %arg6[%get3A_480] {strides = array<i32>} : memref<16384xi32, #tpu.memory_space<vmem>>, vector<16xi32>,
        %gather3A_482 = tpu.vector_load_idx %arg5[%get3A_481] : memref<100000xf32, #tpu.memory_space<vmem>>[vector<16xi32>], vector<16xf32>,
        %mul3A_483 = arith.constant 16 : i32
        %mul3A_484 = arith.muli %scan3A_475, %mul3A_483 : i32
        %swap3A_485 = arith.constant 1 : i32
        %swap3A_486 = arith.index_cast %swap3A_485 : i32 to index
        %swap3A_487 = arith.index_cast %mul3A_484 : i32 to index
        %swap3A_488 = tpu.vector_load %arg7[%swap3A_486, %swap3A_487] {strides = array<i32>} : memref<2x4096xf32, #tpu.memory_space<vmem>>, vector<16xf32>,
        tpu.vector_store %arg7[%swap3A_486, %swap3A_487], %gather3A_482 {strides = array<i32>} : memref<2x4096xf32, #tpu.memory_space<vmem>>, vector<16xf32>,
        %scan3A_489 = arith.constant 13 : i32
        %scan3A_490 = arith.addi %scan3A_298, %scan3A_489 : i32
        %mul3A_491 = arith.constant 16 : i32
        %mul3A_492 = arith.muli %scan3A_490, %mul3A_491 : i32
        %add3A_493 = arith.constant 4096 : i32
        %add3A_494 = arith.addi %add3A_493, %mul3A_492 : i32
        %get3A_495 = arith.index_cast %add3A_494 : i32 to index
        %get3A_496 = tpu.vector_load %arg6[%get3A_495] {strides = array<i32>} : memref<16384xi32, #tpu.memory_space<vmem>>, vector<16xi32>,
        %gather3A_497 = tpu.vector_load_idx %arg5[%get3A_496] : memref<100000xf32, #tpu.memory_space<vmem>>[vector<16xi32>], vector<16xf32>,
        %mul3A_498 = arith.constant 16 : i32
        %mul3A_499 = arith.muli %scan3A_490, %mul3A_498 : i32
        %swap3A_500 = arith.constant 1 : i32
        %swap3A_501 = arith.index_cast %swap3A_500 : i32 to index
        %swap3A_502 = arith.index_cast %mul3A_499 : i32 to index
        %swap3A_503 = tpu.vector_load %arg7[%swap3A_501, %swap3A_502] {strides = array<i32>} : memref<2x4096xf32, #tpu.memory_space<vmem>>, vector<16xf32>,
        tpu.vector_store %arg7[%swap3A_501, %swap3A_502], %gather3A_497 {strides = array<i32>} : memref<2x4096xf32, #tpu.memory_space<vmem>>, vector<16xf32>,
        %scan3A_504 = arith.constant 14 : i32
        %scan3A_505 = arith.addi %scan3A_298, %scan3A_504 : i32
        %mul3A_506 = arith.constant 16 : i32
        %mul3A_507 = arith.muli %scan3A_505, %mul3A_506 : i32
        %add3A_508 = arith.constant 4096 : i32
        %add3A_509 = arith.addi %add3A_508, %mul3A_507 : i32
        %get3A_510 = arith.index_cast %add3A_509 : i32 to index
        %get3A_511 = tpu.vector_load %arg6[%get3A_510] {strides = array<i32>} : memref<16384xi32, #tpu.memory_space<vmem>>, vector<16xi32>,
        %gather3A_512 = tpu.vector_load_idx %arg5[%get3A_511] : memref<100000xf32, #tpu.memory_space<vmem>>[vector<16xi32>], vector<16xf32>,
        %mul3A_513 = arith.constant 16 : i32
        %mul3A_514 = arith.muli %scan3A_505, %mul3A_513 : i32
        %swap3A_515 = arith.constant 1 : i32
        %swap3A_516 = arith.index_cast %swap3A_515 : i32 to index
        %swap3A_517 = arith.index_cast %mul3A_514 : i32 to index
        %swap3A_518 = tpu.vector_load %arg7[%swap3A_516, %swap3A_517] {strides = array<i32>} : memref<2x4096xf32, #tpu.memory_space<vmem>>, vector<16xf32>,
        tpu.vector_store %arg7[%swap3A_516, %swap3A_517], %gather3A_512 {strides = array<i32>} : memref<2x4096xf32, #tpu.memory_space<vmem>>, vector<16xf32>,
        %scan3A_519 = arith.constant 15 : i32
        %scan3A_520 = arith.addi %scan3A_298, %scan3A_519 : i32
        %mul3A_521 = arith.constant 16 : i32
        %mul3A_522 = arith.muli %scan3A_520, %mul3A_521 : i32
        %add3A_523 = arith.constant 4096 : i32
        %add3A_524 = arith.addi %add3A_523, %mul3A_522 : i32
        %get3A_525 = arith.index_cast %add3A_524 : i32 to index
        %get3A_526 = tpu.vector_load %arg6[%get3A_525] {strides = array<i32>} : memref<16384xi32, #tpu.memory_space<vmem>>, vector<16xi32>,
        %gather3A_527 = tpu.vector_load_idx %arg5[%get3A_526] : memref<100000xf32, #tpu.memory_space<vmem>>[vector<16xi32>], vector<16xf32>,
        %mul3A_528 = arith.constant 16 : i32
        %mul3A_529 = arith.muli %scan3A_520, %mul3A_528 : i32
        %swap3A_530 = arith.constant 1 : i32
        %swap3A_531 = arith.index_cast %swap3A_530 : i32 to index
        %swap3A_532 = arith.index_cast %mul3A_529 : i32 to index
        %swap3A_533 = tpu.vector_load %arg7[%swap3A_531, %swap3A_532] {strides = array<i32>} : memref<2x4096xf32, #tpu.memory_space<vmem>>, vector<16xf32>,
        tpu.vector_store %arg7[%swap3A_531, %swap3A_532], %gather3A_527 {strides = array<i32>} : memref<2x4096xf32, #tpu.memory_space<vmem>>, vector<16xf32>,
      }
      %scan3A_225 = arith.constant 256 : i32
      %dma_start3A_226 = arith.constant 1 : i32
      %dma_start3A_227 = arith.constant 1 : i32
      %dma_start3A_228 = arith.constant 0 : i32
      %dma_start3A_229 = tpu.memref_slice %arg7[%dma_start3A_226, %dma_start3A_228] : memref<2x4096xf32, #tpu.memory_space<vmem>> -> memref<1x4096xf32, #tpu.memory_space<vmem>>
      %dma_start3A_230 = tpu.memref_squeeze %dma_start3A_229 : memref<1x4096xf32, #tpu.memory_space<vmem>> -> memref<4096xf32, #tpu.memory_space<vmem>>
      %dma_start3A_231 = arith.constant 4096 : i32
      %dma_start3A_232 = tpu.memref_slice %arg4[%select_n3A_133, %add3A_152, %dma_start3A_231] : memref<26x64x16384xf32, #tpu.memory_space<hbm>> -> memref<1x1x4096xf32, #tpu.memory_space<hbm>>
      %dma_start3A_233 = tpu.memref_squeeze %dma_start3A_232 : memref<1x1x4096xf32, #tpu.memory_space<hbm>> -> memref<4096xf32, #tpu.memory_space<hbm>>
      %dma_start3A_234 = tpu.memref_slice %arg9[%dma_start3A_227] : memref<2x!tpu.dma_semaphore, #tpu.memory_space<semaphore_mem>> -> memref<1x!tpu.dma_semaphore, #tpu.memory_space<semaphore_mem>>
      %dma_start3A_235 = tpu.memref_squeeze %dma_start3A_234 : memref<1x!tpu.dma_semaphore, #tpu.memory_space<semaphore_mem>> -> memref<!tpu.dma_semaphore, #tpu.memory_space<semaphore_mem>>
      %dma_start3A_236 = arith.constant 4096 : i32
      %dma_start3A_237 = tpu.memref_slice %arg4[%select_n3A_133, %add3A_152, %dma_start3A_236] : memref<26x64x16384xf32, #tpu.memory_space<hbm>> -> memref<1x1x4096xf32, #tpu.memory_space<hbm>>
      %dma_start3A_238 = tpu.memref_squeeze %dma_start3A_237 : memref<1x1x4096xf32, #tpu.memory_space<hbm>> -> memref<4096xf32, #tpu.memory_space<hbm>>
      %dma_start3A_239 = arith.constant 0 : i32
      %dma_start3A_240 = tpu.memref_slice %arg7[%dma_start3A_226, %dma_start3A_239] : memref<2x4096xf32, #tpu.memory_space<vmem>> -> memref<1x4096xf32, #tpu.memory_space<vmem>>
      %dma_start3A_241 = tpu.memref_squeeze %dma_start3A_240 : memref<1x4096xf32, #tpu.memory_space<vmem>> -> memref<4096xf32, #tpu.memory_space<vmem>>
      tpu.enqueue_dma source(%dma_start3A_241 : memref<4096xf32, #tpu.memory_space<vmem>>) target(%dma_start3A_238 : memref<4096xf32, #tpu.memory_space<hbm>>) target_semaphore(%dma_start3A_235 : memref<!tpu.dma_semaphore, #tpu.memory_space<semaphore_mem>>)
      %gt3A_242 = arith.cmpi sgt, %add3A_153, %mul3A_32 : i32
      %or3A_243 = arith.constant true
      %or3A_244 = arith.ori %gt3A_242, %or3A_243 : i1
      %convert_element_type3A_245 = arith.extui %or3A_244 : i1 to i32
      %cond3A_246 = arith.constant 0 : i32
      %cond3A_247 = arith.cmpi ne, %convert_element_type3A_245, %cond3A_246 : i32
      scf.if %cond3A_247 {
        %dma_wait3A_298 = arith.constant 0 : i32
        %dma_wait3A_299 = arith.constant 0 : i32
        %dma_wait3A_300 = arith.constant 0 : i32
        %dma_wait3A_301 = tpu.memref_slice %arg7[%dma_wait3A_298, %dma_wait3A_300] : memref<2x4096xf32, #tpu.memory_space<vmem>> -> memref<1x4096xf32, #tpu.memory_space<vmem>>
        %dma_wait3A_302 = tpu.memref_squeeze %dma_wait3A_301 : memref<1x4096xf32, #tpu.memory_space<vmem>> -> memref<4096xf32, #tpu.memory_space<vmem>>
        %dma_wait3A_303 = arith.constant 0 : i32
        %dma_wait3A_304 = tpu.memref_slice %arg4[%select_n3A_133, %add3A_152, %dma_wait3A_303] : memref<26x64x16384xf32, #tpu.memory_space<hbm>> -> memref<1x1x4096xf32, #tpu.memory_space<hbm>>
        %dma_wait3A_305 = tpu.memref_squeeze %dma_wait3A_304 : memref<1x1x4096xf32, #tpu.memory_space<hbm>> -> memref<4096xf32, #tpu.memory_space<hbm>>
        %dma_wait3A_306 = tpu.memref_slice %arg9[%dma_wait3A_299] : memref<2x!tpu.dma_semaphore, #tpu.memory_space<semaphore_mem>> -> memref<1x!tpu.dma_semaphore, #tpu.memory_space<semaphore_mem>>
        %dma_wait3A_307 = tpu.memref_squeeze %dma_wait3A_306 : memref<1x!tpu.dma_semaphore, #tpu.memory_space<semaphore_mem>> -> memref<!tpu.dma_semaphore, #tpu.memory_space<semaphore_mem>>
        %dma_wait3A_308 = arith.constant 0 : i32
        %dma_wait3A_309 = tpu.memref_slice %arg4[%select_n3A_133, %add3A_152, %dma_wait3A_308] : memref<26x64x16384xf32, #tpu.memory_space<hbm>> -> memref<1x1x4096xf32, #tpu.memory_space<hbm>>
        %dma_wait3A_310 = tpu.memref_squeeze %dma_wait3A_309 : memref<1x1x4096xf32, #tpu.memory_space<hbm>> -> memref<4096xf32, #tpu.memory_space<hbm>>
        %dma_wait3A_311 = arith.constant 0 : i32
        %dma_wait3A_312 = tpu.memref_slice %arg7[%dma_wait3A_298, %dma_wait3A_311] : memref<2x4096xf32, #tpu.memory_space<vmem>> -> memref<1x4096xf32, #tpu.memory_space<vmem>>
        %dma_wait3A_313 = tpu.memref_squeeze %dma_wait3A_312 : memref<1x4096xf32, #tpu.memory_space<vmem>> -> memref<4096xf32, #tpu.memory_space<vmem>>
        tpu.wait_dma2 semaphore(%dma_wait3A_307 : memref<!tpu.dma_semaphore, #tpu.memory_space<semaphore_mem>>) src(%dma_wait3A_313 : memref<4096xf32, #tpu.memory_space<vmem>>) dst(%dma_wait3A_310 : memref<4096xf32, #tpu.memory_space<hbm>>)
      } else {
      }
      %scan3A_248 = arith.constant 0 : i32
      %scan3A_249 = arith.constant 0 : i32
      %scan3A_250 = arith.constant 256 : i32
      %scan3A_251 = arith.addi %scan3A_249, %scan3A_250 : i32
      %scan3A_252 = arith.constant 16 : i32
      scf.for %scan3A_298 = %scan3A_249 to %scan3A_251 step %scan3A_252  : i32 {
        %mul3A_299 = arith.constant 16 : i32
        %mul3A_300 = arith.muli %scan3A_298, %mul3A_299 : i32
        %add3A_301 = arith.constant 8192 : i32
        %add3A_302 = arith.addi %add3A_301, %mul3A_300 : i32
        %get3A = arith.index_cast %add3A_302 : i32 to index
        %get3A_303 = tpu.vector_load %arg6[%get3A] {strides = array<i32>} : memref<16384xi32, #tpu.memory_space<vmem>>, vector<16xi32>,
        %gather3A = tpu.vector_load_idx %arg5[%get3A_303] : memref<100000xf32, #tpu.memory_space<vmem>>[vector<16xi32>], vector<16xf32>,
        %mul3A_304 = arith.constant 16 : i32
        %mul3A_305 = arith.muli %scan3A_298, %mul3A_304 : i32
        %swap3A = arith.constant 0 : i32
        %swap3A_306 = arith.index_cast %swap3A : i32 to index
        %swap3A_307 = arith.index_cast %mul3A_305 : i32 to index
        %swap3A_308 = tpu.vector_load %arg7[%swap3A_306, %swap3A_307] {strides = array<i32>} : memref<2x4096xf32, #tpu.memory_space<vmem>>, vector<16xf32>,
        tpu.vector_store %arg7[%swap3A_306, %swap3A_307], %gather3A {strides = array<i32>} : memref<2x4096xf32, #tpu.memory_space<vmem>>, vector<16xf32>,
        %scan3A_309 = arith.constant 1 : i32
        %scan3A_310 = arith.addi %scan3A_298, %scan3A_309 : i32
        %mul3A_311 = arith.constant 16 : i32
        %mul3A_312 = arith.muli %scan3A_310, %mul3A_311 : i32
        %add3A_313 = arith.constant 8192 : i32
        %add3A_314 = arith.addi %add3A_313, %mul3A_312 : i32
        %get3A_315 = arith.index_cast %add3A_314 : i32 to index
        %get3A_316 = tpu.vector_load %arg6[%get3A_315] {strides = array<i32>} : memref<16384xi32, #tpu.memory_space<vmem>>, vector<16xi32>,
        %gather3A_317 = tpu.vector_load_idx %arg5[%get3A_316] : memref<100000xf32, #tpu.memory_space<vmem>>[vector<16xi32>], vector<16xf32>,
        %mul3A_318 = arith.constant 16 : i32
        %mul3A_319 = arith.muli %scan3A_310, %mul3A_318 : i32
        %swap3A_320 = arith.constant 0 : i32
        %swap3A_321 = arith.index_cast %swap3A_320 : i32 to index
        %swap3A_322 = arith.index_cast %mul3A_319 : i32 to index
        %swap3A_323 = tpu.vector_load %arg7[%swap3A_321, %swap3A_322] {strides = array<i32>} : memref<2x4096xf32, #tpu.memory_space<vmem>>, vector<16xf32>,
        tpu.vector_store %arg7[%swap3A_321, %swap3A_322], %gather3A_317 {strides = array<i32>} : memref<2x4096xf32, #tpu.memory_space<vmem>>, vector<16xf32>,
        %scan3A_324 = arith.constant 2 : i32
        %scan3A_325 = arith.addi %scan3A_298, %scan3A_324 : i32
        %mul3A_326 = arith.constant 16 : i32
        %mul3A_327 = arith.muli %scan3A_325, %mul3A_326 : i32
        %add3A_328 = arith.constant 8192 : i32
        %add3A_329 = arith.addi %add3A_328, %mul3A_327 : i32
        %get3A_330 = arith.index_cast %add3A_329 : i32 to index
        %get3A_331 = tpu.vector_load %arg6[%get3A_330] {strides = array<i32>} : memref<16384xi32, #tpu.memory_space<vmem>>, vector<16xi32>,
        %gather3A_332 = tpu.vector_load_idx %arg5[%get3A_331] : memref<100000xf32, #tpu.memory_space<vmem>>[vector<16xi32>], vector<16xf32>,
        %mul3A_333 = arith.constant 16 : i32
        %mul3A_334 = arith.muli %scan3A_325, %mul3A_333 : i32
        %swap3A_335 = arith.constant 0 : i32
        %swap3A_336 = arith.index_cast %swap3A_335 : i32 to index
        %swap3A_337 = arith.index_cast %mul3A_334 : i32 to index
        %swap3A_338 = tpu.vector_load %arg7[%swap3A_336, %swap3A_337] {strides = array<i32>} : memref<2x4096xf32, #tpu.memory_space<vmem>>, vector<16xf32>,
        tpu.vector_store %arg7[%swap3A_336, %swap3A_337], %gather3A_332 {strides = array<i32>} : memref<2x4096xf32, #tpu.memory_space<vmem>>, vector<16xf32>,
        %scan3A_339 = arith.constant 3 : i32
        %scan3A_340 = arith.addi %scan3A_298, %scan3A_339 : i32
        %mul3A_341 = arith.constant 16 : i32
        %mul3A_342 = arith.muli %scan3A_340, %mul3A_341 : i32
        %add3A_343 = arith.constant 8192 : i32
        %add3A_344 = arith.addi %add3A_343, %mul3A_342 : i32
        %get3A_345 = arith.index_cast %add3A_344 : i32 to index
        %get3A_346 = tpu.vector_load %arg6[%get3A_345] {strides = array<i32>} : memref<16384xi32, #tpu.memory_space<vmem>>, vector<16xi32>,
        %gather3A_347 = tpu.vector_load_idx %arg5[%get3A_346] : memref<100000xf32, #tpu.memory_space<vmem>>[vector<16xi32>], vector<16xf32>,
        %mul3A_348 = arith.constant 16 : i32
        %mul3A_349 = arith.muli %scan3A_340, %mul3A_348 : i32
        %swap3A_350 = arith.constant 0 : i32
        %swap3A_351 = arith.index_cast %swap3A_350 : i32 to index
        %swap3A_352 = arith.index_cast %mul3A_349 : i32 to index
        %swap3A_353 = tpu.vector_load %arg7[%swap3A_351, %swap3A_352] {strides = array<i32>} : memref<2x4096xf32, #tpu.memory_space<vmem>>, vector<16xf32>,
        tpu.vector_store %arg7[%swap3A_351, %swap3A_352], %gather3A_347 {strides = array<i32>} : memref<2x4096xf32, #tpu.memory_space<vmem>>, vector<16xf32>,
        %scan3A_354 = arith.constant 4 : i32
        %scan3A_355 = arith.addi %scan3A_298, %scan3A_354 : i32
        %mul3A_356 = arith.constant 16 : i32
        %mul3A_357 = arith.muli %scan3A_355, %mul3A_356 : i32
        %add3A_358 = arith.constant 8192 : i32
        %add3A_359 = arith.addi %add3A_358, %mul3A_357 : i32
        %get3A_360 = arith.index_cast %add3A_359 : i32 to index
        %get3A_361 = tpu.vector_load %arg6[%get3A_360] {strides = array<i32>} : memref<16384xi32, #tpu.memory_space<vmem>>, vector<16xi32>,
        %gather3A_362 = tpu.vector_load_idx %arg5[%get3A_361] : memref<100000xf32, #tpu.memory_space<vmem>>[vector<16xi32>], vector<16xf32>,
        %mul3A_363 = arith.constant 16 : i32
        %mul3A_364 = arith.muli %scan3A_355, %mul3A_363 : i32
        %swap3A_365 = arith.constant 0 : i32
        %swap3A_366 = arith.index_cast %swap3A_365 : i32 to index
        %swap3A_367 = arith.index_cast %mul3A_364 : i32 to index
        %swap3A_368 = tpu.vector_load %arg7[%swap3A_366, %swap3A_367] {strides = array<i32>} : memref<2x4096xf32, #tpu.memory_space<vmem>>, vector<16xf32>,
        tpu.vector_store %arg7[%swap3A_366, %swap3A_367], %gather3A_362 {strides = array<i32>} : memref<2x4096xf32, #tpu.memory_space<vmem>>, vector<16xf32>,
        %scan3A_369 = arith.constant 5 : i32
        %scan3A_370 = arith.addi %scan3A_298, %scan3A_369 : i32
        %mul3A_371 = arith.constant 16 : i32
        %mul3A_372 = arith.muli %scan3A_370, %mul3A_371 : i32
        %add3A_373 = arith.constant 8192 : i32
        %add3A_374 = arith.addi %add3A_373, %mul3A_372 : i32
        %get3A_375 = arith.index_cast %add3A_374 : i32 to index
        %get3A_376 = tpu.vector_load %arg6[%get3A_375] {strides = array<i32>} : memref<16384xi32, #tpu.memory_space<vmem>>, vector<16xi32>,
        %gather3A_377 = tpu.vector_load_idx %arg5[%get3A_376] : memref<100000xf32, #tpu.memory_space<vmem>>[vector<16xi32>], vector<16xf32>,
        %mul3A_378 = arith.constant 16 : i32
        %mul3A_379 = arith.muli %scan3A_370, %mul3A_378 : i32
        %swap3A_380 = arith.constant 0 : i32
        %swap3A_381 = arith.index_cast %swap3A_380 : i32 to index
        %swap3A_382 = arith.index_cast %mul3A_379 : i32 to index
        %swap3A_383 = tpu.vector_load %arg7[%swap3A_381, %swap3A_382] {strides = array<i32>} : memref<2x4096xf32, #tpu.memory_space<vmem>>, vector<16xf32>,
        tpu.vector_store %arg7[%swap3A_381, %swap3A_382], %gather3A_377 {strides = array<i32>} : memref<2x4096xf32, #tpu.memory_space<vmem>>, vector<16xf32>,
        %scan3A_384 = arith.constant 6 : i32
        %scan3A_385 = arith.addi %scan3A_298, %scan3A_384 : i32
        %mul3A_386 = arith.constant 16 : i32
        %mul3A_387 = arith.muli %scan3A_385, %mul3A_386 : i32
        %add3A_388 = arith.constant 8192 : i32
        %add3A_389 = arith.addi %add3A_388, %mul3A_387 : i32
        %get3A_390 = arith.index_cast %add3A_389 : i32 to index
        %get3A_391 = tpu.vector_load %arg6[%get3A_390] {strides = array<i32>} : memref<16384xi32, #tpu.memory_space<vmem>>, vector<16xi32>,
        %gather3A_392 = tpu.vector_load_idx %arg5[%get3A_391] : memref<100000xf32, #tpu.memory_space<vmem>>[vector<16xi32>], vector<16xf32>,
        %mul3A_393 = arith.constant 16 : i32
        %mul3A_394 = arith.muli %scan3A_385, %mul3A_393 : i32
        %swap3A_395 = arith.constant 0 : i32
        %swap3A_396 = arith.index_cast %swap3A_395 : i32 to index
        %swap3A_397 = arith.index_cast %mul3A_394 : i32 to index
        %swap3A_398 = tpu.vector_load %arg7[%swap3A_396, %swap3A_397] {strides = array<i32>} : memref<2x4096xf32, #tpu.memory_space<vmem>>, vector<16xf32>,
        tpu.vector_store %arg7[%swap3A_396, %swap3A_397], %gather3A_392 {strides = array<i32>} : memref<2x4096xf32, #tpu.memory_space<vmem>>, vector<16xf32>,
        %scan3A_399 = arith.constant 7 : i32
        %scan3A_400 = arith.addi %scan3A_298, %scan3A_399 : i32
        %mul3A_401 = arith.constant 16 : i32
        %mul3A_402 = arith.muli %scan3A_400, %mul3A_401 : i32
        %add3A_403 = arith.constant 8192 : i32
        %add3A_404 = arith.addi %add3A_403, %mul3A_402 : i32
        %get3A_405 = arith.index_cast %add3A_404 : i32 to index
        %get3A_406 = tpu.vector_load %arg6[%get3A_405] {strides = array<i32>} : memref<16384xi32, #tpu.memory_space<vmem>>, vector<16xi32>,
        %gather3A_407 = tpu.vector_load_idx %arg5[%get3A_406] : memref<100000xf32, #tpu.memory_space<vmem>>[vector<16xi32>], vector<16xf32>,
        %mul3A_408 = arith.constant 16 : i32
        %mul3A_409 = arith.muli %scan3A_400, %mul3A_408 : i32
        %swap3A_410 = arith.constant 0 : i32
        %swap3A_411 = arith.index_cast %swap3A_410 : i32 to index
        %swap3A_412 = arith.index_cast %mul3A_409 : i32 to index
        %swap3A_413 = tpu.vector_load %arg7[%swap3A_411, %swap3A_412] {strides = array<i32>} : memref<2x4096xf32, #tpu.memory_space<vmem>>, vector<16xf32>,
        tpu.vector_store %arg7[%swap3A_411, %swap3A_412], %gather3A_407 {strides = array<i32>} : memref<2x4096xf32, #tpu.memory_space<vmem>>, vector<16xf32>,
        %scan3A_414 = arith.constant 8 : i32
        %scan3A_415 = arith.addi %scan3A_298, %scan3A_414 : i32
        %mul3A_416 = arith.constant 16 : i32
        %mul3A_417 = arith.muli %scan3A_415, %mul3A_416 : i32
        %add3A_418 = arith.constant 8192 : i32
        %add3A_419 = arith.addi %add3A_418, %mul3A_417 : i32
        %get3A_420 = arith.index_cast %add3A_419 : i32 to index
        %get3A_421 = tpu.vector_load %arg6[%get3A_420] {strides = array<i32>} : memref<16384xi32, #tpu.memory_space<vmem>>, vector<16xi32>,
        %gather3A_422 = tpu.vector_load_idx %arg5[%get3A_421] : memref<100000xf32, #tpu.memory_space<vmem>>[vector<16xi32>], vector<16xf32>,
        %mul3A_423 = arith.constant 16 : i32
        %mul3A_424 = arith.muli %scan3A_415, %mul3A_423 : i32
        %swap3A_425 = arith.constant 0 : i32
        %swap3A_426 = arith.index_cast %swap3A_425 : i32 to index
        %swap3A_427 = arith.index_cast %mul3A_424 : i32 to index
        %swap3A_428 = tpu.vector_load %arg7[%swap3A_426, %swap3A_427] {strides = array<i32>} : memref<2x4096xf32, #tpu.memory_space<vmem>>, vector<16xf32>,
        tpu.vector_store %arg7[%swap3A_426, %swap3A_427], %gather3A_422 {strides = array<i32>} : memref<2x4096xf32, #tpu.memory_space<vmem>>, vector<16xf32>,
        %scan3A_429 = arith.constant 9 : i32
        %scan3A_430 = arith.addi %scan3A_298, %scan3A_429 : i32
        %mul3A_431 = arith.constant 16 : i32
        %mul3A_432 = arith.muli %scan3A_430, %mul3A_431 : i32
        %add3A_433 = arith.constant 8192 : i32
        %add3A_434 = arith.addi %add3A_433, %mul3A_432 : i32
        %get3A_435 = arith.index_cast %add3A_434 : i32 to index
        %get3A_436 = tpu.vector_load %arg6[%get3A_435] {strides = array<i32>} : memref<16384xi32, #tpu.memory_space<vmem>>, vector<16xi32>,
        %gather3A_437 = tpu.vector_load_idx %arg5[%get3A_436] : memref<100000xf32, #tpu.memory_space<vmem>>[vector<16xi32>], vector<16xf32>,
        %mul3A_438 = arith.constant 16 : i32
        %mul3A_439 = arith.muli %scan3A_430, %mul3A_438 : i32
        %swap3A_440 = arith.constant 0 : i32
        %swap3A_441 = arith.index_cast %swap3A_440 : i32 to index
        %swap3A_442 = arith.index_cast %mul3A_439 : i32 to index
        %swap3A_443 = tpu.vector_load %arg7[%swap3A_441, %swap3A_442] {strides = array<i32>} : memref<2x4096xf32, #tpu.memory_space<vmem>>, vector<16xf32>,
        tpu.vector_store %arg7[%swap3A_441, %swap3A_442], %gather3A_437 {strides = array<i32>} : memref<2x4096xf32, #tpu.memory_space<vmem>>, vector<16xf32>,
        %scan3A_444 = arith.constant 10 : i32
        %scan3A_445 = arith.addi %scan3A_298, %scan3A_444 : i32
        %mul3A_446 = arith.constant 16 : i32
        %mul3A_447 = arith.muli %scan3A_445, %mul3A_446 : i32
        %add3A_448 = arith.constant 8192 : i32
        %add3A_449 = arith.addi %add3A_448, %mul3A_447 : i32
        %get3A_450 = arith.index_cast %add3A_449 : i32 to index
        %get3A_451 = tpu.vector_load %arg6[%get3A_450] {strides = array<i32>} : memref<16384xi32, #tpu.memory_space<vmem>>, vector<16xi32>,
        %gather3A_452 = tpu.vector_load_idx %arg5[%get3A_451] : memref<100000xf32, #tpu.memory_space<vmem>>[vector<16xi32>], vector<16xf32>,
        %mul3A_453 = arith.constant 16 : i32
        %mul3A_454 = arith.muli %scan3A_445, %mul3A_453 : i32
        %swap3A_455 = arith.constant 0 : i32
        %swap3A_456 = arith.index_cast %swap3A_455 : i32 to index
        %swap3A_457 = arith.index_cast %mul3A_454 : i32 to index
        %swap3A_458 = tpu.vector_load %arg7[%swap3A_456, %swap3A_457] {strides = array<i32>} : memref<2x4096xf32, #tpu.memory_space<vmem>>, vector<16xf32>,
        tpu.vector_store %arg7[%swap3A_456, %swap3A_457], %gather3A_452 {strides = array<i32>} : memref<2x4096xf32, #tpu.memory_space<vmem>>, vector<16xf32>,
        %scan3A_459 = arith.constant 11 : i32
        %scan3A_460 = arith.addi %scan3A_298, %scan3A_459 : i32
        %mul3A_461 = arith.constant 16 : i32
        %mul3A_462 = arith.muli %scan3A_460, %mul3A_461 : i32
        %add3A_463 = arith.constant 8192 : i32
        %add3A_464 = arith.addi %add3A_463, %mul3A_462 : i32
        %get3A_465 = arith.index_cast %add3A_464 : i32 to index
        %get3A_466 = tpu.vector_load %arg6[%get3A_465] {strides = array<i32>} : memref<16384xi32, #tpu.memory_space<vmem>>, vector<16xi32>,
        %gather3A_467 = tpu.vector_load_idx %arg5[%get3A_466] : memref<100000xf32, #tpu.memory_space<vmem>>[vector<16xi32>], vector<16xf32>,
        %mul3A_468 = arith.constant 16 : i32
        %mul3A_469 = arith.muli %scan3A_460, %mul3A_468 : i32
        %swap3A_470 = arith.constant 0 : i32
        %swap3A_471 = arith.index_cast %swap3A_470 : i32 to index
        %swap3A_472 = arith.index_cast %mul3A_469 : i32 to index
        %swap3A_473 = tpu.vector_load %arg7[%swap3A_471, %swap3A_472] {strides = array<i32>} : memref<2x4096xf32, #tpu.memory_space<vmem>>, vector<16xf32>,
        tpu.vector_store %arg7[%swap3A_471, %swap3A_472], %gather3A_467 {strides = array<i32>} : memref<2x4096xf32, #tpu.memory_space<vmem>>, vector<16xf32>,
        %scan3A_474 = arith.constant 12 : i32
        %scan3A_475 = arith.addi %scan3A_298, %scan3A_474 : i32
        %mul3A_476 = arith.constant 16 : i32
        %mul3A_477 = arith.muli %scan3A_475, %mul3A_476 : i32
        %add3A_478 = arith.constant 8192 : i32
        %add3A_479 = arith.addi %add3A_478, %mul3A_477 : i32
        %get3A_480 = arith.index_cast %add3A_479 : i32 to index
        %get3A_481 = tpu.vector_load %arg6[%get3A_480] {strides = array<i32>} : memref<16384xi32, #tpu.memory_space<vmem>>, vector<16xi32>,
        %gather3A_482 = tpu.vector_load_idx %arg5[%get3A_481] : memref<100000xf32, #tpu.memory_space<vmem>>[vector<16xi32>], vector<16xf32>,
        %mul3A_483 = arith.constant 16 : i32
        %mul3A_484 = arith.muli %scan3A_475, %mul3A_483 : i32
        %swap3A_485 = arith.constant 0 : i32
        %swap3A_486 = arith.index_cast %swap3A_485 : i32 to index
        %swap3A_487 = arith.index_cast %mul3A_484 : i32 to index
        %swap3A_488 = tpu.vector_load %arg7[%swap3A_486, %swap3A_487] {strides = array<i32>} : memref<2x4096xf32, #tpu.memory_space<vmem>>, vector<16xf32>,
        tpu.vector_store %arg7[%swap3A_486, %swap3A_487], %gather3A_482 {strides = array<i32>} : memref<2x4096xf32, #tpu.memory_space<vmem>>, vector<16xf32>,
        %scan3A_489 = arith.constant 13 : i32
        %scan3A_490 = arith.addi %scan3A_298, %scan3A_489 : i32
        %mul3A_491 = arith.constant 16 : i32
        %mul3A_492 = arith.muli %scan3A_490, %mul3A_491 : i32
        %add3A_493 = arith.constant 8192 : i32
        %add3A_494 = arith.addi %add3A_493, %mul3A_492 : i32
        %get3A_495 = arith.index_cast %add3A_494 : i32 to index
        %get3A_496 = tpu.vector_load %arg6[%get3A_495] {strides = array<i32>} : memref<16384xi32, #tpu.memory_space<vmem>>, vector<16xi32>,
        %gather3A_497 = tpu.vector_load_idx %arg5[%get3A_496] : memref<100000xf32, #tpu.memory_space<vmem>>[vector<16xi32>], vector<16xf32>,
        %mul3A_498 = arith.constant 16 : i32
        %mul3A_499 = arith.muli %scan3A_490, %mul3A_498 : i32
        %swap3A_500 = arith.constant 0 : i32
        %swap3A_501 = arith.index_cast %swap3A_500 : i32 to index
        %swap3A_502 = arith.index_cast %mul3A_499 : i32 to index
        %swap3A_503 = tpu.vector_load %arg7[%swap3A_501, %swap3A_502] {strides = array<i32>} : memref<2x4096xf32, #tpu.memory_space<vmem>>, vector<16xf32>,
        tpu.vector_store %arg7[%swap3A_501, %swap3A_502], %gather3A_497 {strides = array<i32>} : memref<2x4096xf32, #tpu.memory_space<vmem>>, vector<16xf32>,
        %scan3A_504 = arith.constant 14 : i32
        %scan3A_505 = arith.addi %scan3A_298, %scan3A_504 : i32
        %mul3A_506 = arith.constant 16 : i32
        %mul3A_507 = arith.muli %scan3A_505, %mul3A_506 : i32
        %add3A_508 = arith.constant 8192 : i32
        %add3A_509 = arith.addi %add3A_508, %mul3A_507 : i32
        %get3A_510 = arith.index_cast %add3A_509 : i32 to index
        %get3A_511 = tpu.vector_load %arg6[%get3A_510] {strides = array<i32>} : memref<16384xi32, #tpu.memory_space<vmem>>, vector<16xi32>,
        %gather3A_512 = tpu.vector_load_idx %arg5[%get3A_511] : memref<100000xf32, #tpu.memory_space<vmem>>[vector<16xi32>], vector<16xf32>,
        %mul3A_513 = arith.constant 16 : i32
        %mul3A_514 = arith.muli %scan3A_505, %mul3A_513 : i32
        %swap3A_515 = arith.constant 0 : i32
        %swap3A_516 = arith.index_cast %swap3A_515 : i32 to index
        %swap3A_517 = arith.index_cast %mul3A_514 : i32 to index
        %swap3A_518 = tpu.vector_load %arg7[%swap3A_516, %swap3A_517] {strides = array<i32>} : memref<2x4096xf32, #tpu.memory_space<vmem>>, vector<16xf32>,
        tpu.vector_store %arg7[%swap3A_516, %swap3A_517], %gather3A_512 {strides = array<i32>} : memref<2x4096xf32, #tpu.memory_space<vmem>>, vector<16xf32>,
        %scan3A_519 = arith.constant 15 : i32
        %scan3A_520 = arith.addi %scan3A_298, %scan3A_519 : i32
        %mul3A_521 = arith.constant 16 : i32
        %mul3A_522 = arith.muli %scan3A_520, %mul3A_521 : i32
        %add3A_523 = arith.constant 8192 : i32
        %add3A_524 = arith.addi %add3A_523, %mul3A_522 : i32
        %get3A_525 = arith.index_cast %add3A_524 : i32 to index
        %get3A_526 = tpu.vector_load %arg6[%get3A_525] {strides = array<i32>} : memref<16384xi32, #tpu.memory_space<vmem>>, vector<16xi32>,
        %gather3A_527 = tpu.vector_load_idx %arg5[%get3A_526] : memref<100000xf32, #tpu.memory_space<vmem>>[vector<16xi32>], vector<16xf32>,
        %mul3A_528 = arith.constant 16 : i32
        %mul3A_529 = arith.muli %scan3A_520, %mul3A_528 : i32
        %swap3A_530 = arith.constant 0 : i32
        %swap3A_531 = arith.index_cast %swap3A_530 : i32 to index
        %swap3A_532 = arith.index_cast %mul3A_529 : i32 to index
        %swap3A_533 = tpu.vector_load %arg7[%swap3A_531, %swap3A_532] {strides = array<i32>} : memref<2x4096xf32, #tpu.memory_space<vmem>>, vector<16xf32>,
        tpu.vector_store %arg7[%swap3A_531, %swap3A_532], %gather3A_527 {strides = array<i32>} : memref<2x4096xf32, #tpu.memory_space<vmem>>, vector<16xf32>,
      }
      %scan3A_253 = arith.constant 256 : i32
      %dma_start3A_254 = arith.constant 0 : i32
      %dma_start3A_255 = arith.constant 0 : i32
      %dma_start3A_256 = arith.constant 0 : i32
      %dma_start3A_257 = tpu.memref_slice %arg7[%dma_start3A_254, %dma_start3A_256] : memref<2x4096xf32, #tpu.memory_space<vmem>> -> memref<1x4096xf32, #tpu.memory_space<vmem>>
      %dma_start3A_258 = tpu.memref_squeeze %dma_start3A_257 : memref<1x4096xf32, #tpu.memory_space<vmem>> -> memref<4096xf32, #tpu.memory_space<vmem>>
      %dma_start3A_259 = arith.constant 8192 : i32
      %dma_start3A_260 = tpu.memref_slice %arg4[%select_n3A_133, %add3A_152, %dma_start3A_259] : memref<26x64x16384xf32, #tpu.memory_space<hbm>> -> memref<1x1x4096xf32, #tpu.memory_space<hbm>>
      %dma_start3A_261 = tpu.memref_squeeze %dma_start3A_260 : memref<1x1x4096xf32, #tpu.memory_space<hbm>> -> memref<4096xf32, #tpu.memory_space<hbm>>
      %dma_start3A_262 = tpu.memref_slice %arg9[%dma_start3A_255] : memref<2x!tpu.dma_semaphore, #tpu.memory_space<semaphore_mem>> -> memref<1x!tpu.dma_semaphore, #tpu.memory_space<semaphore_mem>>
      %dma_start3A_263 = tpu.memref_squeeze %dma_start3A_262 : memref<1x!tpu.dma_semaphore, #tpu.memory_space<semaphore_mem>> -> memref<!tpu.dma_semaphore, #tpu.memory_space<semaphore_mem>>
      %dma_start3A_264 = arith.constant 8192 : i32
      %dma_start3A_265 = tpu.memref_slice %arg4[%select_n3A_133, %add3A_152, %dma_start3A_264] : memref<26x64x16384xf32, #tpu.memory_space<hbm>> -> memref<1x1x4096xf32, #tpu.memory_space<hbm>>
      %dma_start3A_266 = tpu.memref_squeeze %dma_start3A_265 : memref<1x1x4096xf32, #tpu.memory_space<hbm>> -> memref<4096xf32, #tpu.memory_space<hbm>>
      %dma_start3A_267 = arith.constant 0 : i32
      %dma_start3A_268 = tpu.memref_slice %arg7[%dma_start3A_254, %dma_start3A_267] : memref<2x4096xf32, #tpu.memory_space<vmem>> -> memref<1x4096xf32, #tpu.memory_space<vmem>>
      %dma_start3A_269 = tpu.memref_squeeze %dma_start3A_268 : memref<1x4096xf32, #tpu.memory_space<vmem>> -> memref<4096xf32, #tpu.memory_space<vmem>>
      tpu.enqueue_dma source(%dma_start3A_269 : memref<4096xf32, #tpu.memory_space<vmem>>) target(%dma_start3A_266 : memref<4096xf32, #tpu.memory_space<hbm>>) target_semaphore(%dma_start3A_263 : memref<!tpu.dma_semaphore, #tpu.memory_space<semaphore_mem>>)
      %gt3A_270 = arith.cmpi sgt, %add3A_153, %mul3A_32 : i32
      %or3A_271 = arith.constant true
      %or3A_272 = arith.ori %gt3A_270, %or3A_271 : i1
      %convert_element_type3A_273 = arith.extui %or3A_272 : i1 to i32
      %cond3A_274 = arith.constant 0 : i32
      %cond3A_275 = arith.cmpi ne, %convert_element_type3A_273, %cond3A_274 : i32
      scf.if %cond3A_275 {
        %dma_wait3A_298 = arith.constant 1 : i32
        %dma_wait3A_299 = arith.constant 1 : i32
        %dma_wait3A_300 = arith.constant 0 : i32
        %dma_wait3A_301 = tpu.memref_slice %arg7[%dma_wait3A_298, %dma_wait3A_300] : memref<2x4096xf32, #tpu.memory_space<vmem>> -> memref<1x4096xf32, #tpu.memory_space<vmem>>
        %dma_wait3A_302 = tpu.memref_squeeze %dma_wait3A_301 : memref<1x4096xf32, #tpu.memory_space<vmem>> -> memref<4096xf32, #tpu.memory_space<vmem>>
        %dma_wait3A_303 = arith.constant 0 : i32
        %dma_wait3A_304 = tpu.memref_slice %arg4[%select_n3A_133, %add3A_152, %dma_wait3A_303] : memref<26x64x16384xf32, #tpu.memory_space<hbm>> -> memref<1x1x4096xf32, #tpu.memory_space<hbm>>
        %dma_wait3A_305 = tpu.memref_squeeze %dma_wait3A_304 : memref<1x1x4096xf32, #tpu.memory_space<hbm>> -> memref<4096xf32, #tpu.memory_space<hbm>>
        %dma_wait3A_306 = tpu.memref_slice %arg9[%dma_wait3A_299] : memref<2x!tpu.dma_semaphore, #tpu.memory_space<semaphore_mem>> -> memref<1x!tpu.dma_semaphore, #tpu.memory_space<semaphore_mem>>
        %dma_wait3A_307 = tpu.memref_squeeze %dma_wait3A_306 : memref<1x!tpu.dma_semaphore, #tpu.memory_space<semaphore_mem>> -> memref<!tpu.dma_semaphore, #tpu.memory_space<semaphore_mem>>
        %dma_wait3A_308 = arith.constant 0 : i32
        %dma_wait3A_309 = tpu.memref_slice %arg4[%select_n3A_133, %add3A_152, %dma_wait3A_308] : memref<26x64x16384xf32, #tpu.memory_space<hbm>> -> memref<1x1x4096xf32, #tpu.memory_space<hbm>>
        %dma_wait3A_310 = tpu.memref_squeeze %dma_wait3A_309 : memref<1x1x4096xf32, #tpu.memory_space<hbm>> -> memref<4096xf32, #tpu.memory_space<hbm>>
        %dma_wait3A_311 = arith.constant 0 : i32
        %dma_wait3A_312 = tpu.memref_slice %arg7[%dma_wait3A_298, %dma_wait3A_311] : memref<2x4096xf32, #tpu.memory_space<vmem>> -> memref<1x4096xf32, #tpu.memory_space<vmem>>
        %dma_wait3A_313 = tpu.memref_squeeze %dma_wait3A_312 : memref<1x4096xf32, #tpu.memory_space<vmem>> -> memref<4096xf32, #tpu.memory_space<vmem>>
        tpu.wait_dma2 semaphore(%dma_wait3A_307 : memref<!tpu.dma_semaphore, #tpu.memory_space<semaphore_mem>>) src(%dma_wait3A_313 : memref<4096xf32, #tpu.memory_space<vmem>>) dst(%dma_wait3A_310 : memref<4096xf32, #tpu.memory_space<hbm>>)
      } else {
      }
      %scan3A_276 = arith.constant 0 : i32
      %scan3A_277 = arith.constant 0 : i32
      %scan3A_278 = arith.constant 256 : i32
      %scan3A_279 = arith.addi %scan3A_277, %scan3A_278 : i32
      %scan3A_280 = arith.constant 16 : i32
      scf.for %scan3A_298 = %scan3A_277 to %scan3A_279 step %scan3A_280  : i32 {
        %mul3A_299 = arith.constant 16 : i32
        %mul3A_300 = arith.muli %scan3A_298, %mul3A_299 : i32
        %add3A_301 = arith.constant 12288 : i32
        %add3A_302 = arith.addi %add3A_301, %mul3A_300 : i32
        %get3A = arith.index_cast %add3A_302 : i32 to index
        %get3A_303 = tpu.vector_load %arg6[%get3A] {strides = array<i32>} : memref<16384xi32, #tpu.memory_space<vmem>>, vector<16xi32>,
        %gather3A = tpu.vector_load_idx %arg5[%get3A_303] : memref<100000xf32, #tpu.memory_space<vmem>>[vector<16xi32>], vector<16xf32>,
        %mul3A_304 = arith.constant 16 : i32
        %mul3A_305 = arith.muli %scan3A_298, %mul3A_304 : i32
        %swap3A = arith.constant 1 : i32
        %swap3A_306 = arith.index_cast %swap3A : i32 to index
        %swap3A_307 = arith.index_cast %mul3A_305 : i32 to index
        %swap3A_308 = tpu.vector_load %arg7[%swap3A_306, %swap3A_307] {strides = array<i32>} : memref<2x4096xf32, #tpu.memory_space<vmem>>, vector<16xf32>,
        tpu.vector_store %arg7[%swap3A_306, %swap3A_307], %gather3A {strides = array<i32>} : memref<2x4096xf32, #tpu.memory_space<vmem>>, vector<16xf32>,
        %scan3A_309 = arith.constant 1 : i32
        %scan3A_310 = arith.addi %scan3A_298, %scan3A_309 : i32
        %mul3A_311 = arith.constant 16 : i32
        %mul3A_312 = arith.muli %scan3A_310, %mul3A_311 : i32
        %add3A_313 = arith.constant 12288 : i32
        %add3A_314 = arith.addi %add3A_313, %mul3A_312 : i32
        %get3A_315 = arith.index_cast %add3A_314 : i32 to index
        %get3A_316 = tpu.vector_load %arg6[%get3A_315] {strides = array<i32>} : memref<16384xi32, #tpu.memory_space<vmem>>, vector<16xi32>,
        %gather3A_317 = tpu.vector_load_idx %arg5[%get3A_316] : memref<100000xf32, #tpu.memory_space<vmem>>[vector<16xi32>], vector<16xf32>,
        %mul3A_318 = arith.constant 16 : i32
        %mul3A_319 = arith.muli %scan3A_310, %mul3A_318 : i32
        %swap3A_320 = arith.constant 1 : i32
        %swap3A_321 = arith.index_cast %swap3A_320 : i32 to index
        %swap3A_322 = arith.index_cast %mul3A_319 : i32 to index
        %swap3A_323 = tpu.vector_load %arg7[%swap3A_321, %swap3A_322] {strides = array<i32>} : memref<2x4096xf32, #tpu.memory_space<vmem>>, vector<16xf32>,
        tpu.vector_store %arg7[%swap3A_321, %swap3A_322], %gather3A_317 {strides = array<i32>} : memref<2x4096xf32, #tpu.memory_space<vmem>>, vector<16xf32>,
        %scan3A_324 = arith.constant 2 : i32
        %scan3A_325 = arith.addi %scan3A_298, %scan3A_324 : i32
        %mul3A_326 = arith.constant 16 : i32
        %mul3A_327 = arith.muli %scan3A_325, %mul3A_326 : i32
        %add3A_328 = arith.constant 12288 : i32
        %add3A_329 = arith.addi %add3A_328, %mul3A_327 : i32
        %get3A_330 = arith.index_cast %add3A_329 : i32 to index
        %get3A_331 = tpu.vector_load %arg6[%get3A_330] {strides = array<i32>} : memref<16384xi32, #tpu.memory_space<vmem>>, vector<16xi32>,
        %gather3A_332 = tpu.vector_load_idx %arg5[%get3A_331] : memref<100000xf32, #tpu.memory_space<vmem>>[vector<16xi32>], vector<16xf32>,
        %mul3A_333 = arith.constant 16 : i32
        %mul3A_334 = arith.muli %scan3A_325, %mul3A_333 : i32
        %swap3A_335 = arith.constant 1 : i32
        %swap3A_336 = arith.index_cast %swap3A_335 : i32 to index
        %swap3A_337 = arith.index_cast %mul3A_334 : i32 to index
        %swap3A_338 = tpu.vector_load %arg7[%swap3A_336, %swap3A_337] {strides = array<i32>} : memref<2x4096xf32, #tpu.memory_space<vmem>>, vector<16xf32>,
        tpu.vector_store %arg7[%swap3A_336, %swap3A_337], %gather3A_332 {strides = array<i32>} : memref<2x4096xf32, #tpu.memory_space<vmem>>, vector<16xf32>,
        %scan3A_339 = arith.constant 3 : i32
        %scan3A_340 = arith.addi %scan3A_298, %scan3A_339 : i32
        %mul3A_341 = arith.constant 16 : i32
        %mul3A_342 = arith.muli %scan3A_340, %mul3A_341 : i32
        %add3A_343 = arith.constant 12288 : i32
        %add3A_344 = arith.addi %add3A_343, %mul3A_342 : i32
        %get3A_345 = arith.index_cast %add3A_344 : i32 to index
        %get3A_346 = tpu.vector_load %arg6[%get3A_345] {strides = array<i32>} : memref<16384xi32, #tpu.memory_space<vmem>>, vector<16xi32>,
        %gather3A_347 = tpu.vector_load_idx %arg5[%get3A_346] : memref<100000xf32, #tpu.memory_space<vmem>>[vector<16xi32>], vector<16xf32>,
        %mul3A_348 = arith.constant 16 : i32
        %mul3A_349 = arith.muli %scan3A_340, %mul3A_348 : i32
        %swap3A_350 = arith.constant 1 : i32
        %swap3A_351 = arith.index_cast %swap3A_350 : i32 to index
        %swap3A_352 = arith.index_cast %mul3A_349 : i32 to index
        %swap3A_353 = tpu.vector_load %arg7[%swap3A_351, %swap3A_352] {strides = array<i32>} : memref<2x4096xf32, #tpu.memory_space<vmem>>, vector<16xf32>,
        tpu.vector_store %arg7[%swap3A_351, %swap3A_352], %gather3A_347 {strides = array<i32>} : memref<2x4096xf32, #tpu.memory_space<vmem>>, vector<16xf32>,
        %scan3A_354 = arith.constant 4 : i32
        %scan3A_355 = arith.addi %scan3A_298, %scan3A_354 : i32
        %mul3A_356 = arith.constant 16 : i32
        %mul3A_357 = arith.muli %scan3A_355, %mul3A_356 : i32
        %add3A_358 = arith.constant 12288 : i32
        %add3A_359 = arith.addi %add3A_358, %mul3A_357 : i32
        %get3A_360 = arith.index_cast %add3A_359 : i32 to index
        %get3A_361 = tpu.vector_load %arg6[%get3A_360] {strides = array<i32>} : memref<16384xi32, #tpu.memory_space<vmem>>, vector<16xi32>,
        %gather3A_362 = tpu.vector_load_idx %arg5[%get3A_361] : memref<100000xf32, #tpu.memory_space<vmem>>[vector<16xi32>], vector<16xf32>,
        %mul3A_363 = arith.constant 16 : i32
        %mul3A_364 = arith.muli %scan3A_355, %mul3A_363 : i32
        %swap3A_365 = arith.constant 1 : i32
        %swap3A_366 = arith.index_cast %swap3A_365 : i32 to index
        %swap3A_367 = arith.index_cast %mul3A_364 : i32 to index
        %swap3A_368 = tpu.vector_load %arg7[%swap3A_366, %swap3A_367] {strides = array<i32>} : memref<2x4096xf32, #tpu.memory_space<vmem>>, vector<16xf32>,
        tpu.vector_store %arg7[%swap3A_366, %swap3A_367], %gather3A_362 {strides = array<i32>} : memref<2x4096xf32, #tpu.memory_space<vmem>>, vector<16xf32>,
        %scan3A_369 = arith.constant 5 : i32
        %scan3A_370 = arith.addi %scan3A_298, %scan3A_369 : i32
        %mul3A_371 = arith.constant 16 : i32
        %mul3A_372 = arith.muli %scan3A_370, %mul3A_371 : i32
        %add3A_373 = arith.constant 12288 : i32
        %add3A_374 = arith.addi %add3A_373, %mul3A_372 : i32
        %get3A_375 = arith.index_cast %add3A_374 : i32 to index
        %get3A_376 = tpu.vector_load %arg6[%get3A_375] {strides = array<i32>} : memref<16384xi32, #tpu.memory_space<vmem>>, vector<16xi32>,
        %gather3A_377 = tpu.vector_load_idx %arg5[%get3A_376] : memref<100000xf32, #tpu.memory_space<vmem>>[vector<16xi32>], vector<16xf32>,
        %mul3A_378 = arith.constant 16 : i32
        %mul3A_379 = arith.muli %scan3A_370, %mul3A_378 : i32
        %swap3A_380 = arith.constant 1 : i32
        %swap3A_381 = arith.index_cast %swap3A_380 : i32 to index
        %swap3A_382 = arith.index_cast %mul3A_379 : i32 to index
        %swap3A_383 = tpu.vector_load %arg7[%swap3A_381, %swap3A_382] {strides = array<i32>} : memref<2x4096xf32, #tpu.memory_space<vmem>>, vector<16xf32>,
        tpu.vector_store %arg7[%swap3A_381, %swap3A_382], %gather3A_377 {strides = array<i32>} : memref<2x4096xf32, #tpu.memory_space<vmem>>, vector<16xf32>,
        %scan3A_384 = arith.constant 6 : i32
        %scan3A_385 = arith.addi %scan3A_298, %scan3A_384 : i32
        %mul3A_386 = arith.constant 16 : i32
        %mul3A_387 = arith.muli %scan3A_385, %mul3A_386 : i32
        %add3A_388 = arith.constant 12288 : i32
        %add3A_389 = arith.addi %add3A_388, %mul3A_387 : i32
        %get3A_390 = arith.index_cast %add3A_389 : i32 to index
        %get3A_391 = tpu.vector_load %arg6[%get3A_390] {strides = array<i32>} : memref<16384xi32, #tpu.memory_space<vmem>>, vector<16xi32>,
        %gather3A_392 = tpu.vector_load_idx %arg5[%get3A_391] : memref<100000xf32, #tpu.memory_space<vmem>>[vector<16xi32>], vector<16xf32>,
        %mul3A_393 = arith.constant 16 : i32
        %mul3A_394 = arith.muli %scan3A_385, %mul3A_393 : i32
        %swap3A_395 = arith.constant 1 : i32
        %swap3A_396 = arith.index_cast %swap3A_395 : i32 to index
        %swap3A_397 = arith.index_cast %mul3A_394 : i32 to index
        %swap3A_398 = tpu.vector_load %arg7[%swap3A_396, %swap3A_397] {strides = array<i32>} : memref<2x4096xf32, #tpu.memory_space<vmem>>, vector<16xf32>,
        tpu.vector_store %arg7[%swap3A_396, %swap3A_397], %gather3A_392 {strides = array<i32>} : memref<2x4096xf32, #tpu.memory_space<vmem>>, vector<16xf32>,
        %scan3A_399 = arith.constant 7 : i32
        %scan3A_400 = arith.addi %scan3A_298, %scan3A_399 : i32
        %mul3A_401 = arith.constant 16 : i32
        %mul3A_402 = arith.muli %scan3A_400, %mul3A_401 : i32
        %add3A_403 = arith.constant 12288 : i32
        %add3A_404 = arith.addi %add3A_403, %mul3A_402 : i32
        %get3A_405 = arith.index_cast %add3A_404 : i32 to index
        %get3A_406 = tpu.vector_load %arg6[%get3A_405] {strides = array<i32>} : memref<16384xi32, #tpu.memory_space<vmem>>, vector<16xi32>,
        %gather3A_407 = tpu.vector_load_idx %arg5[%get3A_406] : memref<100000xf32, #tpu.memory_space<vmem>>[vector<16xi32>], vector<16xf32>,
        %mul3A_408 = arith.constant 16 : i32
        %mul3A_409 = arith.muli %scan3A_400, %mul3A_408 : i32
        %swap3A_410 = arith.constant 1 : i32
        %swap3A_411 = arith.index_cast %swap3A_410 : i32 to index
        %swap3A_412 = arith.index_cast %mul3A_409 : i32 to index
        %swap3A_413 = tpu.vector_load %arg7[%swap3A_411, %swap3A_412] {strides = array<i32>} : memref<2x4096xf32, #tpu.memory_space<vmem>>, vector<16xf32>,
        tpu.vector_store %arg7[%swap3A_411, %swap3A_412], %gather3A_407 {strides = array<i32>} : memref<2x4096xf32, #tpu.memory_space<vmem>>, vector<16xf32>,
        %scan3A_414 = arith.constant 8 : i32
        %scan3A_415 = arith.addi %scan3A_298, %scan3A_414 : i32
        %mul3A_416 = arith.constant 16 : i32
        %mul3A_417 = arith.muli %scan3A_415, %mul3A_416 : i32
        %add3A_418 = arith.constant 12288 : i32
        %add3A_419 = arith.addi %add3A_418, %mul3A_417 : i32
        %get3A_420 = arith.index_cast %add3A_419 : i32 to index
        %get3A_421 = tpu.vector_load %arg6[%get3A_420] {strides = array<i32>} : memref<16384xi32, #tpu.memory_space<vmem>>, vector<16xi32>,
        %gather3A_422 = tpu.vector_load_idx %arg5[%get3A_421] : memref<100000xf32, #tpu.memory_space<vmem>>[vector<16xi32>], vector<16xf32>,
        %mul3A_423 = arith.constant 16 : i32
        %mul3A_424 = arith.muli %scan3A_415, %mul3A_423 : i32
        %swap3A_425 = arith.constant 1 : i32
        %swap3A_426 = arith.index_cast %swap3A_425 : i32 to index
        %swap3A_427 = arith.index_cast %mul3A_424 : i32 to index
        %swap3A_428 = tpu.vector_load %arg7[%swap3A_426, %swap3A_427] {strides = array<i32>} : memref<2x4096xf32, #tpu.memory_space<vmem>>, vector<16xf32>,
        tpu.vector_store %arg7[%swap3A_426, %swap3A_427], %gather3A_422 {strides = array<i32>} : memref<2x4096xf32, #tpu.memory_space<vmem>>, vector<16xf32>,
        %scan3A_429 = arith.constant 9 : i32
        %scan3A_430 = arith.addi %scan3A_298, %scan3A_429 : i32
        %mul3A_431 = arith.constant 16 : i32
        %mul3A_432 = arith.muli %scan3A_430, %mul3A_431 : i32
        %add3A_433 = arith.constant 12288 : i32
        %add3A_434 = arith.addi %add3A_433, %mul3A_432 : i32
        %get3A_435 = arith.index_cast %add3A_434 : i32 to index
        %get3A_436 = tpu.vector_load %arg6[%get3A_435] {strides = array<i32>} : memref<16384xi32, #tpu.memory_space<vmem>>, vector<16xi32>,
        %gather3A_437 = tpu.vector_load_idx %arg5[%get3A_436] : memref<100000xf32, #tpu.memory_space<vmem>>[vector<16xi32>], vector<16xf32>,
        %mul3A_438 = arith.constant 16 : i32
        %mul3A_439 = arith.muli %scan3A_430, %mul3A_438 : i32
        %swap3A_440 = arith.constant 1 : i32
        %swap3A_441 = arith.index_cast %swap3A_440 : i32 to index
        %swap3A_442 = arith.index_cast %mul3A_439 : i32 to index
        %swap3A_443 = tpu.vector_load %arg7[%swap3A_441, %swap3A_442] {strides = array<i32>} : memref<2x4096xf32, #tpu.memory_space<vmem>>, vector<16xf32>,
        tpu.vector_store %arg7[%swap3A_441, %swap3A_442], %gather3A_437 {strides = array<i32>} : memref<2x4096xf32, #tpu.memory_space<vmem>>, vector<16xf32>,
        %scan3A_444 = arith.constant 10 : i32
        %scan3A_445 = arith.addi %scan3A_298, %scan3A_444 : i32
        %mul3A_446 = arith.constant 16 : i32
        %mul3A_447 = arith.muli %scan3A_445, %mul3A_446 : i32
        %add3A_448 = arith.constant 12288 : i32
        %add3A_449 = arith.addi %add3A_448, %mul3A_447 : i32
        %get3A_450 = arith.index_cast %add3A_449 : i32 to index
        %get3A_451 = tpu.vector_load %arg6[%get3A_450] {strides = array<i32>} : memref<16384xi32, #tpu.memory_space<vmem>>, vector<16xi32>,
        %gather3A_452 = tpu.vector_load_idx %arg5[%get3A_451] : memref<100000xf32, #tpu.memory_space<vmem>>[vector<16xi32>], vector<16xf32>,
        %mul3A_453 = arith.constant 16 : i32
        %mul3A_454 = arith.muli %scan3A_445, %mul3A_453 : i32
        %swap3A_455 = arith.constant 1 : i32
        %swap3A_456 = arith.index_cast %swap3A_455 : i32 to index
        %swap3A_457 = arith.index_cast %mul3A_454 : i32 to index
        %swap3A_458 = tpu.vector_load %arg7[%swap3A_456, %swap3A_457] {strides = array<i32>} : memref<2x4096xf32, #tpu.memory_space<vmem>>, vector<16xf32>,
        tpu.vector_store %arg7[%swap3A_456, %swap3A_457], %gather3A_452 {strides = array<i32>} : memref<2x4096xf32, #tpu.memory_space<vmem>>, vector<16xf32>,
        %scan3A_459 = arith.constant 11 : i32
        %scan3A_460 = arith.addi %scan3A_298, %scan3A_459 : i32
        %mul3A_461 = arith.constant 16 : i32
        %mul3A_462 = arith.muli %scan3A_460, %mul3A_461 : i32
        %add3A_463 = arith.constant 12288 : i32
        %add3A_464 = arith.addi %add3A_463, %mul3A_462 : i32
        %get3A_465 = arith.index_cast %add3A_464 : i32 to index
        %get3A_466 = tpu.vector_load %arg6[%get3A_465] {strides = array<i32>} : memref<16384xi32, #tpu.memory_space<vmem>>, vector<16xi32>,
        %gather3A_467 = tpu.vector_load_idx %arg5[%get3A_466] : memref<100000xf32, #tpu.memory_space<vmem>>[vector<16xi32>], vector<16xf32>,
        %mul3A_468 = arith.constant 16 : i32
        %mul3A_469 = arith.muli %scan3A_460, %mul3A_468 : i32
        %swap3A_470 = arith.constant 1 : i32
        %swap3A_471 = arith.index_cast %swap3A_470 : i32 to index
        %swap3A_472 = arith.index_cast %mul3A_469 : i32 to index
        %swap3A_473 = tpu.vector_load %arg7[%swap3A_471, %swap3A_472] {strides = array<i32>} : memref<2x4096xf32, #tpu.memory_space<vmem>>, vector<16xf32>,
        tpu.vector_store %arg7[%swap3A_471, %swap3A_472], %gather3A_467 {strides = array<i32>} : memref<2x4096xf32, #tpu.memory_space<vmem>>, vector<16xf32>,
        %scan3A_474 = arith.constant 12 : i32
        %scan3A_475 = arith.addi %scan3A_298, %scan3A_474 : i32
        %mul3A_476 = arith.constant 16 : i32
        %mul3A_477 = arith.muli %scan3A_475, %mul3A_476 : i32
        %add3A_478 = arith.constant 12288 : i32
        %add3A_479 = arith.addi %add3A_478, %mul3A_477 : i32
        %get3A_480 = arith.index_cast %add3A_479 : i32 to index
        %get3A_481 = tpu.vector_load %arg6[%get3A_480] {strides = array<i32>} : memref<16384xi32, #tpu.memory_space<vmem>>, vector<16xi32>,
        %gather3A_482 = tpu.vector_load_idx %arg5[%get3A_481] : memref<100000xf32, #tpu.memory_space<vmem>>[vector<16xi32>], vector<16xf32>,
        %mul3A_483 = arith.constant 16 : i32
        %mul3A_484 = arith.muli %scan3A_475, %mul3A_483 : i32
        %swap3A_485 = arith.constant 1 : i32
        %swap3A_486 = arith.index_cast %swap3A_485 : i32 to index
        %swap3A_487 = arith.index_cast %mul3A_484 : i32 to index
        %swap3A_488 = tpu.vector_load %arg7[%swap3A_486, %swap3A_487] {strides = array<i32>} : memref<2x4096xf32, #tpu.memory_space<vmem>>, vector<16xf32>,
        tpu.vector_store %arg7[%swap3A_486, %swap3A_487], %gather3A_482 {strides = array<i32>} : memref<2x4096xf32, #tpu.memory_space<vmem>>, vector<16xf32>,
        %scan3A_489 = arith.constant 13 : i32
        %scan3A_490 = arith.addi %scan3A_298, %scan3A_489 : i32
        %mul3A_491 = arith.constant 16 : i32
        %mul3A_492 = arith.muli %scan3A_490, %mul3A_491 : i32
        %add3A_493 = arith.constant 12288 : i32
        %add3A_494 = arith.addi %add3A_493, %mul3A_492 : i32
        %get3A_495 = arith.index_cast %add3A_494 : i32 to index
        %get3A_496 = tpu.vector_load %arg6[%get3A_495] {strides = array<i32>} : memref<16384xi32, #tpu.memory_space<vmem>>, vector<16xi32>,
        %gather3A_497 = tpu.vector_load_idx %arg5[%get3A_496] : memref<100000xf32, #tpu.memory_space<vmem>>[vector<16xi32>], vector<16xf32>,
        %mul3A_498 = arith.constant 16 : i32
        %mul3A_499 = arith.muli %scan3A_490, %mul3A_498 : i32
        %swap3A_500 = arith.constant 1 : i32
        %swap3A_501 = arith.index_cast %swap3A_500 : i32 to index
        %swap3A_502 = arith.index_cast %mul3A_499 : i32 to index
        %swap3A_503 = tpu.vector_load %arg7[%swap3A_501, %swap3A_502] {strides = array<i32>} : memref<2x4096xf32, #tpu.memory_space<vmem>>, vector<16xf32>,
        tpu.vector_store %arg7[%swap3A_501, %swap3A_502], %gather3A_497 {strides = array<i32>} : memref<2x4096xf32, #tpu.memory_space<vmem>>, vector<16xf32>,
        %scan3A_504 = arith.constant 14 : i32
        %scan3A_505 = arith.addi %scan3A_298, %scan3A_504 : i32
        %mul3A_506 = arith.constant 16 : i32
        %mul3A_507 = arith.muli %scan3A_505, %mul3A_506 : i32
        %add3A_508 = arith.constant 12288 : i32
        %add3A_509 = arith.addi %add3A_508, %mul3A_507 : i32
        %get3A_510 = arith.index_cast %add3A_509 : i32 to index
        %get3A_511 = tpu.vector_load %arg6[%get3A_510] {strides = array<i32>} : memref<16384xi32, #tpu.memory_space<vmem>>, vector<16xi32>,
        %gather3A_512 = tpu.vector_load_idx %arg5[%get3A_511] : memref<100000xf32, #tpu.memory_space<vmem>>[vector<16xi32>], vector<16xf32>,
        %mul3A_513 = arith.constant 16 : i32
        %mul3A_514 = arith.muli %scan3A_505, %mul3A_513 : i32
        %swap3A_515 = arith.constant 1 : i32
        %swap3A_516 = arith.index_cast %swap3A_515 : i32 to index
        %swap3A_517 = arith.index_cast %mul3A_514 : i32 to index
        %swap3A_518 = tpu.vector_load %arg7[%swap3A_516, %swap3A_517] {strides = array<i32>} : memref<2x4096xf32, #tpu.memory_space<vmem>>, vector<16xf32>,
        tpu.vector_store %arg7[%swap3A_516, %swap3A_517], %gather3A_512 {strides = array<i32>} : memref<2x4096xf32, #tpu.memory_space<vmem>>, vector<16xf32>,
        %scan3A_519 = arith.constant 15 : i32
        %scan3A_520 = arith.addi %scan3A_298, %scan3A_519 : i32
        %mul3A_521 = arith.constant 16 : i32
        %mul3A_522 = arith.muli %scan3A_520, %mul3A_521 : i32
        %add3A_523 = arith.constant 12288 : i32
        %add3A_524 = arith.addi %add3A_523, %mul3A_522 : i32
        %get3A_525 = arith.index_cast %add3A_524 : i32 to index
        %get3A_526 = tpu.vector_load %arg6[%get3A_525] {strides = array<i32>} : memref<16384xi32, #tpu.memory_space<vmem>>, vector<16xi32>,
        %gather3A_527 = tpu.vector_load_idx %arg5[%get3A_526] : memref<100000xf32, #tpu.memory_space<vmem>>[vector<16xi32>], vector<16xf32>,
        %mul3A_528 = arith.constant 16 : i32
        %mul3A_529 = arith.muli %scan3A_520, %mul3A_528 : i32
        %swap3A_530 = arith.constant 1 : i32
        %swap3A_531 = arith.index_cast %swap3A_530 : i32 to index
        %swap3A_532 = arith.index_cast %mul3A_529 : i32 to index
        %swap3A_533 = tpu.vector_load %arg7[%swap3A_531, %swap3A_532] {strides = array<i32>} : memref<2x4096xf32, #tpu.memory_space<vmem>>, vector<16xf32>,
        tpu.vector_store %arg7[%swap3A_531, %swap3A_532], %gather3A_527 {strides = array<i32>} : memref<2x4096xf32, #tpu.memory_space<vmem>>, vector<16xf32>,
      }
      %scan3A_281 = arith.constant 256 : i32
      %dma_start3A_282 = arith.constant 1 : i32
      %dma_start3A_283 = arith.constant 1 : i32
      %dma_start3A_284 = arith.constant 0 : i32
      %dma_start3A_285 = tpu.memref_slice %arg7[%dma_start3A_282, %dma_start3A_284] : memref<2x4096xf32, #tpu.memory_space<vmem>> -> memref<1x4096xf32, #tpu.memory_space<vmem>>
      %dma_start3A_286 = tpu.memref_squeeze %dma_start3A_285 : memref<1x4096xf32, #tpu.memory_space<vmem>> -> memref<4096xf32, #tpu.memory_space<vmem>>
      %dma_start3A_287 = arith.constant 12288 : i32
      %dma_start3A_288 = tpu.memref_slice %arg4[%select_n3A_133, %add3A_152, %dma_start3A_287] : memref<26x64x16384xf32, #tpu.memory_space<hbm>> -> memref<1x1x4096xf32, #tpu.memory_space<hbm>>
      %dma_start3A_289 = tpu.memref_squeeze %dma_start3A_288 : memref<1x1x4096xf32, #tpu.memory_space<hbm>> -> memref<4096xf32, #tpu.memory_space<hbm>>
      %dma_start3A_290 = tpu.memref_slice %arg9[%dma_start3A_283] : memref<2x!tpu.dma_semaphore, #tpu.memory_space<semaphore_mem>> -> memref<1x!tpu.dma_semaphore, #tpu.memory_space<semaphore_mem>>
      %dma_start3A_291 = tpu.memref_squeeze %dma_start3A_290 : memref<1x!tpu.dma_semaphore, #tpu.memory_space<semaphore_mem>> -> memref<!tpu.dma_semaphore, #tpu.memory_space<semaphore_mem>>
      %dma_start3A_292 = arith.constant 12288 : i32
      %dma_start3A_293 = tpu.memref_slice %arg4[%select_n3A_133, %add3A_152, %dma_start3A_292] : memref<26x64x16384xf32, #tpu.memory_space<hbm>> -> memref<1x1x4096xf32, #tpu.memory_space<hbm>>
      %dma_start3A_294 = tpu.memref_squeeze %dma_start3A_293 : memref<1x1x4096xf32, #tpu.memory_space<hbm>> -> memref<4096xf32, #tpu.memory_space<hbm>>
      %dma_start3A_295 = arith.constant 0 : i32
      %dma_start3A_296 = tpu.memref_slice %arg7[%dma_start3A_282, %dma_start3A_295] : memref<2x4096xf32, #tpu.memory_space<vmem>> -> memref<1x4096xf32, #tpu.memory_space<vmem>>
      %dma_start3A_297 = tpu.memref_squeeze %dma_start3A_296 : memref<1x4096xf32, #tpu.memory_space<vmem>> -> memref<4096xf32, #tpu.memory_space<vmem>>
      tpu.enqueue_dma source(%dma_start3A_297 : memref<4096xf32, #tpu.memory_space<vmem>>) target(%dma_start3A_294 : memref<4096xf32, #tpu.memory_space<hbm>>) target_semaphore(%dma_start3A_291 : memref<!tpu.dma_semaphore, #tpu.memory_space<semaphore_mem>>)
    }
    %scan3A_71 = arith.constant 52 : i32
    %dma_wait3A_72 = arith.constant 0 : i32
    %dma_wait3A_73 = arith.constant 0 : i32
    %dma_wait3A_74 = arith.constant 0 : i32
    %dma_wait3A_75 = arith.constant 0 : i32
    %dma_wait3A_76 = arith.constant 0 : i32
    %dma_wait3A_77 = tpu.memref_slice %arg7[%dma_wait3A_72, %dma_wait3A_76] : memref<2x4096xf32, #tpu.memory_space<vmem>> -> memref<1x4096xf32, #tpu.memory_space<vmem>>
    %dma_wait3A_78 = tpu.memref_squeeze %dma_wait3A_77 : memref<1x4096xf32, #tpu.memory_space<vmem>> -> memref<4096xf32, #tpu.memory_space<vmem>>
    %dma_wait3A_79 = arith.constant 0 : i32
    %dma_wait3A_80 = tpu.memref_slice %arg4[%dma_wait3A_73, %dma_wait3A_74, %dma_wait3A_79] : memref<26x64x16384xf32, #tpu.memory_space<hbm>> -> memref<1x1x4096xf32, #tpu.memory_space<hbm>>
    %dma_wait3A_81 = tpu.memref_squeeze %dma_wait3A_80 : memref<1x1x4096xf32, #tpu.memory_space<hbm>> -> memref<4096xf32, #tpu.memory_space<hbm>>
    %dma_wait3A_82 = tpu.memref_slice %arg9[%dma_wait3A_75] : memref<2x!tpu.dma_semaphore, #tpu.memory_space<semaphore_mem>> -> memref<1x!tpu.dma_semaphore, #tpu.memory_space<semaphore_mem>>
    %dma_wait3A_83 = tpu.memref_squeeze %dma_wait3A_82 : memref<1x!tpu.dma_semaphore, #tpu.memory_space<semaphore_mem>> -> memref<!tpu.dma_semaphore, #tpu.memory_space<semaphore_mem>>
    %dma_wait3A_84 = arith.constant 0 : i32
    %dma_wait3A_85 = tpu.memref_slice %arg4[%dma_wait3A_73, %dma_wait3A_74, %dma_wait3A_84] : memref<26x64x16384xf32, #tpu.memory_space<hbm>> -> memref<1x1x4096xf32, #tpu.memory_space<hbm>>
    %dma_wait3A_86 = tpu.memref_squeeze %dma_wait3A_85 : memref<1x1x4096xf32, #tpu.memory_space<hbm>> -> memref<4096xf32, #tpu.memory_space<hbm>>
    %dma_wait3A_87 = arith.constant 0 : i32
    %dma_wait3A_88 = tpu.memref_slice %arg7[%dma_wait3A_72, %dma_wait3A_87] : memref<2x4096xf32, #tpu.memory_space<vmem>> -> memref<1x4096xf32, #tpu.memory_space<vmem>>
    %dma_wait3A_89 = tpu.memref_squeeze %dma_wait3A_88 : memref<1x4096xf32, #tpu.memory_space<vmem>> -> memref<4096xf32, #tpu.memory_space<vmem>>
    tpu.wait_dma2 semaphore(%dma_wait3A_83 : memref<!tpu.dma_semaphore, #tpu.memory_space<semaphore_mem>>) src(%dma_wait3A_89 : memref<4096xf32, #tpu.memory_space<vmem>>) dst(%dma_wait3A_86 : memref<4096xf32, #tpu.memory_space<hbm>>)
    %dma_wait3A_90 = arith.constant 1 : i32
    %dma_wait3A_91 = arith.constant 0 : i32
    %dma_wait3A_92 = arith.constant 0 : i32
    %dma_wait3A_93 = arith.constant 1 : i32
    %dma_wait3A_94 = arith.constant 0 : i32
    %dma_wait3A_95 = tpu.memref_slice %arg7[%dma_wait3A_90, %dma_wait3A_94] : memref<2x4096xf32, #tpu.memory_space<vmem>> -> memref<1x4096xf32, #tpu.memory_space<vmem>>
    %dma_wait3A_96 = tpu.memref_squeeze %dma_wait3A_95 : memref<1x4096xf32, #tpu.memory_space<vmem>> -> memref<4096xf32, #tpu.memory_space<vmem>>
    %dma_wait3A_97 = arith.constant 0 : i32
    %dma_wait3A_98 = tpu.memref_slice %arg4[%dma_wait3A_91, %dma_wait3A_92, %dma_wait3A_97] : memref<26x64x16384xf32, #tpu.memory_space<hbm>> -> memref<1x1x4096xf32, #tpu.memory_space<hbm>>
    %dma_wait3A_99 = tpu.memref_squeeze %dma_wait3A_98 : memref<1x1x4096xf32, #tpu.memory_space<hbm>> -> memref<4096xf32, #tpu.memory_space<hbm>>
    %dma_wait3A_100 = tpu.memref_slice %arg9[%dma_wait3A_93] : memref<2x!tpu.dma_semaphore, #tpu.memory_space<semaphore_mem>> -> memref<1x!tpu.dma_semaphore, #tpu.memory_space<semaphore_mem>>
    %dma_wait3A_101 = tpu.memref_squeeze %dma_wait3A_100 : memref<1x!tpu.dma_semaphore, #tpu.memory_space<semaphore_mem>> -> memref<!tpu.dma_semaphore, #tpu.memory_space<semaphore_mem>>
    %dma_wait3A_102 = arith.constant 0 : i32
    %dma_wait3A_103 = tpu.memref_slice %arg4[%dma_wait3A_91, %dma_wait3A_92, %dma_wait3A_102] : memref<26x64x16384xf32, #tpu.memory_space<hbm>> -> memref<1x1x4096xf32, #tpu.memory_space<hbm>>
    %dma_wait3A_104 = tpu.memref_squeeze %dma_wait3A_103 : memref<1x1x4096xf32, #tpu.memory_space<hbm>> -> memref<4096xf32, #tpu.memory_space<hbm>>
    %dma_wait3A_105 = arith.constant 0 : i32
    %dma_wait3A_106 = tpu.memref_slice %arg7[%dma_wait3A_90, %dma_wait3A_105] : memref<2x4096xf32, #tpu.memory_space<vmem>> -> memref<1x4096xf32, #tpu.memory_space<vmem>>
    %dma_wait3A_107 = tpu.memref_squeeze %dma_wait3A_106 : memref<1x4096xf32, #tpu.memory_space<vmem>> -> memref<4096xf32, #tpu.memory_space<vmem>>
    tpu.wait_dma2 semaphore(%dma_wait3A_101 : memref<!tpu.dma_semaphore, #tpu.memory_space<semaphore_mem>>) src(%dma_wait3A_107 : memref<4096xf32, #tpu.memory_space<vmem>>) dst(%dma_wait3A_104 : memref<4096xf32, #tpu.memory_space<hbm>>)
    return
  }
}

</mosaic_0001>

<sc_bundles>
// kernel: kernel.3.cloned.1.call-start
scs
__scs_entry_jumppad:
0x0: {  	(pc) =	sbr.rel $0x88, $3  }
0x1: {  	(tag) =	ssettag $0x0;
	lr =	simm.s32 $0x1  }
0x2: {  	[smem:$0x3F9F] =	sst lr;
	_ =	strace $0xD0000000  }
0x3: {  	_ = 	snop  }
0x4: {  	_ = 	snop  }
0x5: {  	_ = 	snop  }
0x6: {  	_ = 	snop  }
0x7: {  	_ = 	snop  }
__scs_overlays_trampoline_lowered:
0x8: {  	[smem:$0x3FAE] =	sst s0  }
0x9: {  	[smem:$0x3FAF] =	sst s1  }
0xa: {  	[smem:$0x3FB0] =	sst s2  }
0xb: {  	[smem:$0x3FB1] =	sst s3  }
0xc: {  	[smem:$0x3FB2] =	sst s4  }
0xd: {  	[smem:$0x3FB3] =	sst s5  }
0xe: {  	[smem:$0x3FB4] =	sst s6  }
0xf: {  	[smem:$0x3FB5] =	sst s7  }
0x10: {  	[smem:$0x3FB6] =	sst s8  }
0x11: {  	[smem:$0x3FB7] =	sst s9;
	s0 =	simm.s32 @!p0 $0x0  }
0x12: {  	s1 =	sld [smem:$0x3F9D];
	s0 =	simm.s32 @p0 $0x1  }
0x13: {  	[smem:$0x3FB8] =	sst s0;
	s0 =	simm.s32 @!p1 $0x0  }
0x14: {  	s2 =	sld [smem:$0x3F9C];
	s0 =	simm.s32 @p1 $0x1  }
0x15: {  	[smem:$0x3FB9] =	sst s0;
	s0 =	simm.s32 @!p2 $0x0  }
0x16: {  	s3 =	sld [smem:$0x3FDB];
	s0 =	simm.s32 @p2 $0x1  }
0x17: {  	s4 =	simm.s32 $0x1BF5;
	[smem:$0x3FBB] =	sst s0  }
0x18: {  	s0 =	sld [smem:$0x3F9E];
	_ =	swait.ge [sflag:s4], $0x0  }
0x19: {  	s7 =	sld [smem:$0x3F9F]  }
0x1a: {  	s8 =	sadd.s32 $0xFFFFE003, lr  }
0x1b: {  	s9 =	sadd.s32 $0xFFFFFEF7, lr;
	s5 =	simm.s32 $0xFFFFFFFF;
	p2 =	slt.u32 s8, $0xFFFFF086  }
0x1c: {  	p1 =	slt.u32 s9, $0xF7A;
	s5 =	simm.s32 @!p2 $0x0  }
0x1d: {  	s5 =	simm.s32 @p1 $0x1;
	p0 =	seq.s32 s7, s2  }
0x1e: {  	s7 =	smul.u32 @!p0 $0xF7A, s2;
	p2 =	seq.s32 @!p0 s5, $0x0  }
0x1f: {  	s9 =	smul.u32 $0xF7A, s1;
	s8 =	simm.s32 @!p0 $0x1BF5;
	p2 =	por !p2, p0  }
0x20: {  	[sflag:s8] =	ssyncset.s32 @!p0 $0xFFFFF086;
	s6 =	sadd.s32 @!p0 s3, s7;
	s7 =	simm.s32 @!p0 $0x108  }
0x21: {  	s3 =	sadd.s32 s3, s9;
	s6 =	sadd.s32 @!p0 $0x88, s6;
	s7 =	simm.s32 @p2 $0x1082  }
0x22: {  	[simem:s7], [sflag:s8] =	dma.local @!p0 [hbm:s6], $0xF7A  }
0x23: {  	s9 =	sor.u32 $0xD0000000, s2;
	s6 =	simm.s32 $0x108;
	_ =	swait.ge @!p0 [sflag:s8], $0x0  }
0x24: {  	s3 =	sadd.s32 $0x88, s3;
	s6 =	simm.s32 @!p1 $0x1082;
	[sflag:s4] =	ssyncset.s32 $0xFFFFF086  }
0x25: {  	[simem:s6], [sflag:s4] =	dma.local [hbm:s3], $0xF7A  }
0x26: {  	[smem:$0x3F9F] =	sst s1;
	(tag) =	ssettag s2;
	_ =	strace s9  }
0x27: {  	s1 =	sld [smem:$0x3FAF]  }
0x28: {  	s2 =	sld [smem:$0x3FB0]  }
0x29: {  	s4 =	sld [smem:$0x3FB2]  }
0x2a: {  	p0 =	seq.s32 s5, $0x0;
	s5 =	sld [smem:$0x3FB3]  }
0x2b: {  	s6 =	sld [smem:$0x3FB4]  }
0x2c: {  	s7 =	sld [smem:$0x3FB5]  }
0x2d: {  	s3 =	simm.s32 $0x108;
	s8 =	sld [smem:$0x3FB6]  }
0x2e: {  	s3 =	simm.s32 @!p0 $0x1082;
	s9 =	sld [smem:$0x3FB7]  }
0x2f: {  	lr =	sadd.s32 s0, s3;
	s0 =	sld [smem:$0x3FAE]  }
0x30: {  	s3 =	sld [smem:$0x3FB1]  }
0x31: {  	[smem:$0x3FBA] =	sst s10  }
0x32: {  	s10 =	sld [smem:$0x3FB8];
	_ =	sdelay $0x3  }
0x33: {  	p0 =	seq.s32 s10, $0x1;
	s10 =	sld [smem:$0x3FBA];
	_ =	sdelay $0x3  }
0x34: {  	[smem:$0x3FBA] =	sst s10  }
0x35: {  	s10 =	sld [smem:$0x3FB9];
	_ =	sdelay $0x3  }
0x36: {  	p1 =	seq.s32 s10, $0x1;
	s10 =	sld [smem:$0x3FBA];
	_ =	sdelay $0x3  }
0x37: {  	[smem:$0x3FBA] =	sst s10  }
0x38: {  	s10 =	sld [smem:$0x3FBB]  }
0x39: {  	_ = 	snop;
	(pc) =	sbr.ind lr, $3  }
0x3a: {  	_ = 	snop  }
0x3b: {  	_ = 	snop  }
0x3c: {  	p2 =	seq.s32 s10, $0x1;
	s10 =	sld [smem:$0x3FBA]  }
0x3d: {  	_ =	shalt  }
0x3e: {  	_ =	shalt  }
0x3f: {  	_ =	shalt  }
0x40: {  	_ =	shalt  }
0x41: {  	_ =	shalt  }
0x42: {  	_ =	shalt  }
0x43: {  	_ =	shalt  }
0x44: {  	_ =	shalt  }
0x45: {  	_ =	shalt  }
0x46: {  	_ =	shalt  }
0x47: {  	_ =	shalt  }
0x48: {  	_ =	shalt  }
0x49: {  	_ =	shalt  }
0x4a: {  	_ =	shalt  }
0x4b: {  	_ =	shalt  }
0x4c: {  	_ =	shalt  }
0x4d: {  	_ =	shalt  }
0x4e: {  	_ =	shalt  }
0x4f: {  	_ =	shalt  }
0x50: {  	_ =	shalt  }
0x51: {  	_ =	shalt  }
0x52: {  	_ =	shalt  }
0x53: {  	_ =	shalt  }
0x54: {  	_ =	shalt  }
0x55: {  	_ =	shalt  }
0x56: {  	_ =	shalt  }
0x57: {  	_ =	shalt  }
0x58: {  	_ =	shalt  }
0x59: {  	_ =	shalt  }
0x5a: {  	_ =	shalt  }
0x5b: {  	_ =	shalt  }
0x5c: {  	_ =	shalt  }
0x5d: {  	_ =	shalt  }
0x5e: {  	_ =	shalt  }
0x5f: {  	_ =	shalt  }
0x60: {  	_ =	shalt  }
0x61: {  	_ =	shalt  }
0x62: {  	_ =	shalt  }
0x63: {  	_ =	shalt  }
0x64: {  	_ =	shalt  }
0x65: {  	_ =	shalt  }
0x66: {  	_ =	shalt  }
0x67: {  	_ =	shalt  }
0x68: {  	_ =	shalt  }
0x69: {  	_ =	shalt  }
0x6a: {  	_ =	shalt  }
0x6b: {  	_ =	shalt  }
0x6c: {  	_ =	shalt  }
0x6d: {  	_ =	shalt  }
0x6e: {  	_ =	shalt  }
0x6f: {  	_ =	shalt  }
0x70: {  	_ =	shalt  }
0x71: {  	_ =	shalt  }
0x72: {  	_ =	shalt  }
0x73: {  	_ =	shalt  }
0x74: {  	_ =	shalt  }
0x75: {  	_ =	shalt  }
0x76: {  	_ =	shalt  }
0x77: {  	_ =	shalt  }
0x78: {  	_ =	shalt  }
0x79: {  	_ =	shalt  }
0x7a: {  	_ =	shalt  }
0x7b: {  	_ =	shalt  }
0x7c: {  	_ =	shalt  }
0x7d: {  	_ =	shalt  }
0x7e: {  	_ =	shalt  }
0x7f: {  	_ =	shalt  }
0x80: {  	_ =	shalt  }
0x81: {  	_ =	shalt  }
0x82: {  	_ =	shalt  }
0x83: {  	_ =	shalt  }
0x84: {  	_ =	shalt  }
0x85: {  	_ =	shalt  }
0x86: {  	_ =	shalt  }
0x87: {  	_ =	shalt  }
.Lfunc_end0:
.L_simem_size_0:
called_computation_lowered:
.L_overlay_start_0:
0x88: {  	s2 =	sld [smem:$0x3FD9]  }
0x89: {  	s3 =	sld [smem:$0x3FFE];
	_ =	sdelay $0x1  }
0x8a: {  	s1 =	srdreg.scid  }
0x8b: {  	s0 =	sand.u32 $0x1, s1  }
0x8c: {  	s18 =	sshll.u32 s0, $0xA;
	s2 =	sadd.s32 s3, s2  }
0x8d: {  	s2 =	sadd.s32 s2, s18  }
0x8e: {  	[smem:$0x3FC6] =	sst s2  }
0x8f: {  	_ = 	snop  }
0x90: {  	s2 =	sld [smem:$0x3FC9]  }
0x91: {  	s19 =	sld [smem:$0x3FC8]  }
0x92: {  	s4 =	sld [smem:$0x3FD0];
	(tm) =	ssettm $0x1  }
0x93: {  	s5 =	sld [smem:$0x3FFB];
	_ =	sdelay $0x3  }
0x94: {  	_ =	strace s5  }
0x95: {  	s5 =	sld [smem:$0x3FFC];
	_ =	sdelay $0x3  }
0x96: {  	_ =	strace s5  }
0x97: {  	s5 =	sld [smem:$0x3FFD];
	_ =	sdelay $0x3  }
0x98: {  	_ =	strace s5  }
0x99: {  	_ =	strace $0x8FFFFFFF  }
0x9a: {  	s20 =	sld [smem:$0x3FDB];
	_ =	sdelay $0x1  }
0x9b: {  	s6 =	simm.s32 $_scs_section_size  }
0x9c: {  	s7 =	simm.s32 $_size__tile_overlayer_lowered;
	s8 =	simm.s32 $_tile_overlayer_lowered  }
0x9d: {  	s23 =	simm.s32 $0x1BFF;
	s22 =	sshll.u32 s8, $0x1;
	s5 =	sadd.s32 s6, s20  }
0x9e: {  	s9 =	simm.s32 $0x0;
	s21 =	sshll.u32 s7, $0x1;
	s7 =	sadd.s32 s22, s5  }
0x9f: {  	[timem:s9], [sflag:s23] =	dma.local [hbm:s7], s21  }
0xa0: {  	_ =	swait.ge [sflag:s23], s21  }
0xa1: {  	s6 =	ssub.s32 $0x0, s21;
	[sflag:s23] =	ssyncset.done $0x0  }
0xa2: {  	[sflag:s23] =	ssyncadd.s32 s6;
	_ =	sdelay $0x1  }
0xa3: {  	s24 =	simm.s32 $0x1B8B  }
0xa4: {  	_ =	swait.ge [sflag:s24], $0x1  }
0xa5: {  	[sflag:s24] =	ssyncset.done $0x0  }
0xa6: {  	s25 =	simm.s32 $0x1B8E;
	[sflag:s24] =	ssyncadd.s32 $0xFFFFFFFF  }
0xa7: {  	s26 =	simm.s32 $execute0_lowered;
	[smem:$0x3FD2] =	sst s25  }
0xa8: {  	s6 =	sshll.u32 s26, $0x1;
	_ =	strace $0x80000046;
	[dreg:$0x1] =	wrdreg $0xFFFFFFFF  }
0xa9: {  	s28 =	simm.s32 $_size_execute0_lowered;
	s5 =	sadd.s32 s5, s6;
	[dreg:$0x0] =	wrdreg $0x0  }
0xaa: {  	s6 =	sshll.u32 s28, $0x1;
	[dreg:$0x2] =	wrdreg s5  }
0xab: {  	[dreg:$0x3] =	wrdreg s6  }
0xac: {  	[dreg:$0x4] =	wrdreg $0xC0  }
0xad: {  	_ =	task [dreg:s9], $0x5FFFF  }
0xae: {  	[dreg:$0x1] =	wrdreg $0xFFFFFFFF  }
0xaf: {  	[dreg:$0x0] =	wrdreg $0x60  }
0xb0: {  	[dreg:$0x2] =	wrdreg s2  }
0xb1: {  	[dreg:$0x3] =	wrdreg s19  }
0xb2: {  	[dreg:$0x4] =	wrdreg s4  }
0xb3: {  	[dreg:$0x5] =	wrdreg $0x9  }
0xb4: {  	_ =	task.clear_ibuf [dreg:s9], $0x6FFFF;
	_ =	strace $0x90000046  }
0xb5: {  	s29 =	simm.s32 $0x9;
	_ =	strace $0x80000048  }
0xb6: {  	_ =	swait.ge [sflag:s29], $0x1  }
0xb7: {  	[sflag:s29] =	ssyncadd.s32 $0xFFFFFFFF  }
0xb8: {  	_ =	strace $0x90000048  }
0xb9: {  	_ =	sfence  }
0xba: {  	s30 =	sld [smem:$0x0];
	_ =	sdelay $0x2  }
0xbb: {  	s31 =	sshll.u32 s1, $0xD;
	s1 =	sshrl.u32 s1, $0x2  }
0xbc: {  	s3 =	sand.u32 $0x4000, s31;
	s1 =	sadd.s32 s1, s30  }
0xbd: {  	s0 =	sor.u32 s3, s0;
	s1 =	sshll.u32 s1, $0x11  }
0xbe: {  	s0 =	sor.u32 s1, s0  }
0xbf: {  	s0 =	sadd.s32 $0x8F2B, s0  }
0xc0: {  	[sflag:s0] =	ssyncadd.remote.s32 $0x1  }
0xc1: {  	_ =	sfence.sel $0xFFFF  }
0xc2: {  	[dreg:$0x0] =	wrdreg $0xFFFFFFFF;
	(pc) =	sbr.abs _section_cstart, $3  }
0xc3: {  	[dreg:$0x1] =	wrdreg $0xFFFFFFFF  }
0xc4: {  	_ =	task.clear_ibuf [dreg:s9], $0x2FFFF;
	_ =	strace $0x9FFFFFFF  }
0xc5: {  	(tm) =	ssettm $0x7FFFFFFF  }
tec
execute0_lowered:
.L_overlay_start_1:
0x0: {  	(tag) =	ssettag $0x1  }
0x1: {  	s2 =	rddreg [dreg:$0x0]  }
0x2: {  	s3 =	rddreg [dreg:$0x1]  }
0x3: {  	s4 =	rddreg [dreg:$0x2];
	s1 =	stileid.u32  }
0x4: {  	s0 =	rddreg [dreg:$0x3];
	s6 =	srdreg.scid  }
0x5: {  	s5 =	simm.s32 $0x0;
	s13 =	simm.s32 $0x80;
	s14 =	simm.s32 $0x400  }
0x6: {  	s15 =	simm.s32 $0x18700;
	s16 =	simm.s32 $0x1;
	s17 =	simm.s32 $0x2  }
0x7: {  	s18 =	simm.s32 $0x3;
	s19 =	simm.s32 $0x0;
	s7 =	sshrl.u32 s1, $0x2  }
0x8: {  	s8 =	sand.u32 $0x1, s6;
	[smem:$0x7FF] =	sst s5;
	s30 =	sshll.u32 s1, $0x8  }
0x9: {  	s11 =	sadd.s32 $0x3000, s4;
	s6 =	smul.u32 $0x34, s7;
	s26 =	ssub.s32 $0x2, s8  }
0xa: {  	_ =	strace $0x80000047;
	s8 =	sshll.u32 s8, $0x7;
	s31 =	sand.u32 $0x300, s30  }
0xb: {  	s9 =	sshrl.u32 s26, $0x1;
	s8 =	sor.u32 s8, s31;
	s10 =	sshll.u32 s6, $0x1  }
0xc: {  	s12 =	ssub.s32 s26, s9;
	s28 =	sshll.u32 s6, $0x8;
	s29 =	sand.u32 $0x70, s10  }
0xd: {  	s7 =	sand.u32 $0xC000, s28;
	s10 =	sadd.s32 $0x2000, s4;
	s9 =	sadd.s32 s2, s29  }
0xe: {  	s12 =	smax.u32 s12, $0x1;
	s7 =	sadd.s32 s7, s9;
	s9 =	sadd.s32 $0x1000, s4  }
.LBB2_1:
0xf: {  	[tilespmem:s15], [sflag:$0x1] =	stream.strided.gather [hbm4b:s7+s13], $0x4000, s14, s13, $0x38;
	[tilespmem:$0x1E700] =	vst v63  }
0x10: {  	_ =	swait.ge [sflag:s16], $0x4000  }
0x11: {  	[sflag:s16] =	ssyncset.done $0x0  }
0x12: {  	s20 =	simm.s32 $0x0;
	[sflag:s16] =	ssyncadd.s32 $0xFFFFC000  }
.LBB2_2:
0x13: {  	s22 =	sadd.s32 s6, s20  }
0x14: {  	p0 =	seq.s32 s20, $0x0;
	s21 =	sand.u32 $0x7, s22  }
0x15: {  	p1 =	sne.s32 @!p0 s21, $0x0  }
0x16: {  	s22 =	sshrl.u32 s22, $0x3;
	p1 =	por p1, p0  }
0x17: {  	s25 =	smul.u32 $0x61C000, s22;
	s23 =	sshll.u32 @!p1 s22, $0x4  }
0x18: {  	s29 =	smul.u32 $0xC3800, s21;
	s24 =	sshll.u32 @!p1 s22, $0xB;
	s23 =	sand.u32 @!p1 $0x70, s23  }
0x19: {  	s26 =	simm.s32 @!p1 $0x400;
	s24 =	sand.u32 @!p1 $0xFFFC000, s24;
	s23 =	sadd.s32 @!p1 s2, s23  }
0x1a: {  	s28 =	simm.s32 @!p1 $0x18700;
	s23 =	sadd.s32 @!p1 s24, s23;
	s24 =	simm.s32 @!p1 $0x80  }
0x1b: {  	[tilespmem:s28], [sflag:$0x1] =	stream.strided.gather @!p1 [hbm4b:s23+s24], $0x4000, s26, s24, $0x38;
	[tilespmem:$0x1E700] =	vst v63  }
0x1c: {  	s30 =	sadd.s32 s29, s25;
	s23 =	simm.s32 @!p1 $0x1  }
0x1d: {  	s24 =	sor.u32 s8, s30;
	_ =	swait.ge @!p1 [sflag:s23], $0x4000  }
0x1e: {  	s24 =	sshrl.u32 s24, $0x3;
	[sflag:s23] =	ssyncset.done @!p1 $0x0  }
0x1f: {  	s31 =	sadd.s32 s3, s24;
	[sflag:s23] =	ssyncadd.s32 @!p1 $0xFFFFC000  }
0x20: {  	[tilespmem:s5], [sflag:$0x1] =	stream.strided.gather [hbm4b:s31+s13], $0x18700, s14, s13, $0x38;
	[tilespmem:$0x1E700] =	vst v63  }
0x21: {  	_ =	swait.ge [sflag:s16], $0x18700  }
0x22: {  	[sflag:s16] =	ssyncset.done $0x0  }
0x23: {  	s23 =	simm.s32 @!p0 $0x2;
	[sflag:s16] =	ssyncadd.s32 $0xFFFE7900  }
0x24: {  	_ =	swait.ge @!p0 [sflag:s23], $0x1000  }
0x25: {  	s25 =	simm.s32 $0x1C800;
	[sflag:s23] =	ssyncset.done @!p0 $0x0  }
0x26: {  	s24 =	simm.s32 $0x18780;
	[sflag:s23] =	ssyncadd.s32 @!p0 $0xFFFFF000;
	s23 =	simm.s32 $0xFFFFFFF0  }
.LBB2_3:
0x27: {  	v0 =	vld [tilespmem:s24+$0xFFFFFF80];
	_ =	sdelay $0x7  }
0x28: {  	v0 =	vld.idx.msk [tilespmem:v0+s5+$0x0], $0xffff;
	_ =	sdelay $0x4  }
0x29: {  	[tilespmem:s25+$0xFFFFFF00] =	vst v0  }
0x2a: {  	v0 =	vld [tilespmem:s24+$0xFFFFFF90];
	_ =	sdelay $0x7  }
0x2b: {  	v0 =	vld.idx.msk [tilespmem:v0+s5+$0x0], $0xffff;
	_ =	sdelay $0x4  }
0x2c: {  	[tilespmem:s25+$0xFFFFFF10] =	vst v0  }
0x2d: {  	v0 =	vld [tilespmem:s24+$0xFFFFFFA0];
	_ =	sdelay $0x7  }
0x2e: {  	v0 =	vld.idx.msk [tilespmem:v0+s5+$0x0], $0xffff;
	_ =	sdelay $0x4  }
0x2f: {  	[tilespmem:s25+$0xFFFFFF20] =	vst v0  }
0x30: {  	v0 =	vld [tilespmem:s24+$0xFFFFFFB0];
	_ =	sdelay $0x7  }
0x31: {  	v0 =	vld.idx.msk [tilespmem:v0+s5+$0x0], $0xffff;
	_ =	sdelay $0x4  }
0x32: {  	[tilespmem:s25+$0xFFFFFF30] =	vst v0  }
0x33: {  	v0 =	vld [tilespmem:s24+$0xFFFFFFC0];
	_ =	sdelay $0x7  }
0x34: {  	v0 =	vld.idx.msk [tilespmem:v0+s5+$0x0], $0xffff;
	_ =	sdelay $0x4  }
0x35: {  	[tilespmem:s25+$0xFFFFFF40] =	vst v0  }
0x36: {  	v0 =	vld [tilespmem:s24+$0xFFFFFFD0];
	_ =	sdelay $0x7  }
0x37: {  	v0 =	vld.idx.msk [tilespmem:v0+s5+$0x0], $0xffff;
	_ =	sdelay $0x4  }
0x38: {  	[tilespmem:s25+$0xFFFFFF50] =	vst v0  }
0x39: {  	v0 =	vld [tilespmem:s24+$0xFFFFFFE0];
	_ =	sdelay $0x7  }
0x3a: {  	v0 =	vld.idx.msk [tilespmem:v0+s5+$0x0], $0xffff;
	_ =	sdelay $0x4  }
0x3b: {  	[tilespmem:s25+$0xFFFFFF60] =	vst v0  }
0x3c: {  	v0 =	vld [tilespmem:s24+$0xFFFFFFF0];
	_ =	sdelay $0x7  }
0x3d: {  	v0 =	vld.idx.msk [tilespmem:v0+s5+$0x0], $0xffff;
	_ =	sdelay $0x4  }
0x3e: {  	[tilespmem:s25+$0xFFFFFF70] =	vst v0  }
0x3f: {  	v0 =	vld [tilespmem:s24+$0x0];
	_ =	sdelay $0x7  }
0x40: {  	v0 =	vld.idx.msk [tilespmem:v0+s5+$0x0], $0xffff;
	_ =	sdelay $0x4  }
0x41: {  	[tilespmem:s25+$0x0] =	vst v0  }
0x42: {  	v0 =	vld [tilespmem:s24+$0x10];
	_ =	sdelay $0x7  }
0x43: {  	v0 =	vld.idx.msk [tilespmem:v0+s5+$0x0], $0xffff;
	_ =	sdelay $0x4  }
0x44: {  	[tilespmem:s25+$0x10] =	vst v0  }
0x45: {  	v0 =	vld [tilespmem:s24+$0x20];
	_ =	sdelay $0x7  }
0x46: {  	v0 =	vld.idx.msk [tilespmem:v0+s5+$0x0], $0xffff;
	_ =	sdelay $0x4  }
0x47: {  	[tilespmem:s25+$0x20] =	vst v0  }
0x48: {  	v0 =	vld [tilespmem:s24+$0x30];
	_ =	sdelay $0x7  }
0x49: {  	v0 =	vld.idx.msk [tilespmem:v0+s5+$0x0], $0xffff;
	_ =	sdelay $0x4  }
0x4a: {  	[tilespmem:s25+$0x30] =	vst v0  }
0x4b: {  	v0 =	vld [tilespmem:s24+$0x40];
	_ =	sdelay $0x7  }
0x4c: {  	v0 =	vld.idx.msk [tilespmem:v0+s5+$0x0], $0xffff;
	_ =	sdelay $0x4  }
0x4d: {  	[tilespmem:s25+$0x40] =	vst v0  }
0x4e: {  	v0 =	vld [tilespmem:s24+$0x50];
	_ =	sdelay $0x7  }
0x4f: {  	v0 =	vld.idx.msk [tilespmem:v0+s5+$0x0], $0xffff;
	_ =	sdelay $0x4  }
0x50: {  	[tilespmem:s25+$0x50] =	vst v0  }
0x51: {  	v0 =	vld [tilespmem:s24+$0x60];
	_ =	sdelay $0x7  }
0x52: {  	v0 =	vld.idx.msk [tilespmem:v0+s5+$0x0], $0xffff;
	_ =	sdelay $0x4  }
0x53: {  	[tilespmem:s25+$0x60] =	vst v0  }
0x54: {  	v0 =	vld [tilespmem:s24+$0x70];
	_ =	sdelay $0x6  }
0x55: {  	s23 =	sadd.s32 $0x10, s23  }
0x56: {  	p1 =	slt.u32 s23, $0xF0;
	v0 =	vld.idx.msk [tilespmem:v0+s5+$0x0], $0xffff  }
.Ltmp0:
0x57: {  	_ = 	snop;
	(pc) =	sbr.rel @p1 .LBB2_3-.Ltmp0, $2  }
0x58: {  	_ =	sdelay $0x2  }
0x59: {  	s24 =	sadd.s32 $0x100, s24;
	[tilespmem:s25+$0x70] =	vst v0;
	s25 =	sadd.s32 $0x200, s25  }
0x5a: {  	s22 =	sshll.u32 s22, $0x14;
	s21 =	sshll.u32 s21, $0x11  }
0x5b: {  	s21 =	sor.u32 s21, s22  }
0x5c: {  	s21 =	sor.u32 s8, s21  }
0x5d: {  	s21 =	sshrl.u32 s21, $0x3  }
0x5e: {  	s23 =	simm.s32 $0x1C700;
	s22 =	sadd.s32 s4, s21  }
0x5f: {  	s24 =	simm.s32 $0x80;
	s25 =	simm.s32 $0x1C800;
	s26 =	sadd.s32 $0x0, s22  }
.LBB2_5:
0x60: {  	[hbm4b:s26+s5] =	stream.linear.scatter [tilespmem:s23], [sflag:$0x2], $0x80, $0x38;
	[tilespmem:$0x1E700] =	vst v63  }
0x61: {  	s26 =	smov.u32 s24;
	s23 =	smov.u32 s25;
	p1 =	sne.s32 s24, $0xF80  }
.Ltmp1:
0x62: {  	s24 =	sadd.s32 $0x80, s24;
	(pc) =	sbr.rel @p1 .LBB2_5-.Ltmp1, $2  }
0x63: {  	_ =	sdelay $0x2  }
0x64: {  	s25 =	sadd.s32 $0x100, s25;
	s26 =	sadd.s32 s26, s22  }
0x65: {  	[hbm4b:s26+s5] =	stream.linear.scatter [tilespmem:s23], [sflag:$0x2], $0x80, $0x38;
	[tilespmem:$0x1E700] =	vst v63  }
0x66: {  	s22 =	simm.s32 @!p0 $0x3  }
0x67: {  	_ =	swait.ge @!p0 [sflag:s22], $0x1000  }
0x68: {  	s23 =	simm.s32 $0x197F0;
	[sflag:s22] =	ssyncset.done @!p0 $0x0  }
0x69: {  	s24 =	simm.s32 $0x1C880;
	[sflag:s22] =	ssyncadd.s32 @!p0 $0xFFFFF000;
	s22 =	simm.s32 $0xFFFFFFF0  }
.LBB2_7:
0x6a: {  	v0 =	vld [tilespmem:s23+$0xFFFFFF10];
	_ =	sdelay $0x7  }
0x6b: {  	v0 =	vld.idx.msk [tilespmem:v0+s5+$0x0], $0xffff;
	_ =	sdelay $0x4  }
0x6c: {  	[tilespmem:s24+$0xFFFFFF00] =	vst v0  }
0x6d: {  	v0 =	vld [tilespmem:s23+$0xFFFFFF20];
	_ =	sdelay $0x7  }
0x6e: {  	v0 =	vld.idx.msk [tilespmem:v0+s5+$0x0], $0xffff;
	_ =	sdelay $0x4  }
0x6f: {  	[tilespmem:s24+$0xFFFFFF10] =	vst v0  }
0x70: {  	v0 =	vld [tilespmem:s23+$0xFFFFFF30];
	_ =	sdelay $0x7  }
0x71: {  	v0 =	vld.idx.msk [tilespmem:v0+s5+$0x0], $0xffff;
	_ =	sdelay $0x4  }
0x72: {  	[tilespmem:s24+$0xFFFFFF20] =	vst v0  }
0x73: {  	v0 =	vld [tilespmem:s23+$0xFFFFFF40];
	_ =	sdelay $0x7  }
0x74: {  	v0 =	vld.idx.msk [tilespmem:v0+s5+$0x0], $0xffff;
	_ =	sdelay $0x4  }
0x75: {  	[tilespmem:s24+$0xFFFFFF30] =	vst v0  }
0x76: {  	v0 =	vld [tilespmem:s23+$0xFFFFFF50];
	_ =	sdelay $0x7  }
0x77: {  	v0 =	vld.idx.msk [tilespmem:v0+s5+$0x0], $0xffff;
	_ =	sdelay $0x4  }
0x78: {  	[tilespmem:s24+$0xFFFFFF40] =	vst v0  }
0x79: {  	v0 =	vld [tilespmem:s23+$0xFFFFFF60];
	_ =	sdelay $0x7  }
0x7a: {  	v0 =	vld.idx.msk [tilespmem:v0+s5+$0x0], $0xffff;
	_ =	sdelay $0x4  }
0x7b: {  	[tilespmem:s24+$0xFFFFFF50] =	vst v0  }
0x7c: {  	v0 =	vld [tilespmem:s23+$0xFFFFFF70];
	_ =	sdelay $0x7  }
0x7d: {  	v0 =	vld.idx.msk [tilespmem:v0+s5+$0x0], $0xffff;
	_ =	sdelay $0x4  }
0x7e: {  	[tilespmem:s24+$0xFFFFFF60] =	vst v0  }
0x7f: {  	v0 =	vld [tilespmem:s23+$0xFFFFFF80];
	_ =	sdelay $0x7  }
0x80: {  	v0 =	vld.idx.msk [tilespmem:v0+s5+$0x0], $0xffff;
	_ =	sdelay $0x4  }
0x81: {  	[tilespmem:s24+$0xFFFFFF70] =	vst v0  }
0x82: {  	v0 =	vld [tilespmem:s23+$0xFFFFFF90];
	_ =	sdelay $0x7  }
0x83: {  	v0 =	vld.idx.msk [tilespmem:v0+s5+$0x0], $0xffff;
	_ =	sdelay $0x4  }
0x84: {  	[tilespmem:s24+$0x0] =	vst v0  }
0x85: {  	v0 =	vld [tilespmem:s23+$0xFFFFFFA0];
	_ =	sdelay $0x7  }
0x86: {  	v0 =	vld.idx.msk [tilespmem:v0+s5+$0x0], $0xffff;
	_ =	sdelay $0x4  }
0x87: {  	[tilespmem:s24+$0x10] =	vst v0  }
0x88: {  	v0 =	vld [tilespmem:s23+$0xFFFFFFB0];
	_ =	sdelay $0x7  }
0x89: {  	v0 =	vld.idx.msk [tilespmem:v0+s5+$0x0], $0xffff;
	_ =	sdelay $0x4  }
0x8a: {  	[tilespmem:s24+$0x20] =	vst v0  }
0x8b: {  	v0 =	vld [tilespmem:s23+$0xFFFFFFC0];
	_ =	sdelay $0x7  }
0x8c: {  	v0 =	vld.idx.msk [tilespmem:v0+s5+$0x0], $0xffff;
	_ =	sdelay $0x4  }
0x8d: {  	[tilespmem:s24+$0x30] =	vst v0  }
0x8e: {  	v0 =	vld [tilespmem:s23+$0xFFFFFFD0];
	_ =	sdelay $0x7  }
0x8f: {  	v0 =	vld.idx.msk [tilespmem:v0+s5+$0x0], $0xffff;
	_ =	sdelay $0x4  }
0x90: {  	[tilespmem:s24+$0x40] =	vst v0  }
0x91: {  	v0 =	vld [tilespmem:s23+$0xFFFFFFE0];
	_ =	sdelay $0x7  }
0x92: {  	v0 =	vld.idx.msk [tilespmem:v0+s5+$0x0], $0xffff;
	_ =	sdelay $0x4  }
0x93: {  	[tilespmem:s24+$0x50] =	vst v0  }
0x94: {  	v0 =	vld [tilespmem:s23+$0xFFFFFFF0];
	_ =	sdelay $0x7  }
0x95: {  	v0 =	vld.idx.msk [tilespmem:v0+s5+$0x0], $0xffff;
	_ =	sdelay $0x4  }
0x96: {  	[tilespmem:s24+$0x60] =	vst v0  }
0x97: {  	v0 =	vld [tilespmem:s23+$0x0];
	_ =	sdelay $0x6  }
0x98: {  	s22 =	sadd.s32 $0x10, s22  }
0x99: {  	p0 =	slt.u32 s22, $0xF0;
	v0 =	vld.idx.msk [tilespmem:v0+s5+$0x0], $0xffff  }
.Ltmp2:
0x9a: {  	_ = 	snop;
	(pc) =	sbr.rel @p0 .LBB2_7-.Ltmp2, $2  }
0x9b: {  	_ =	sdelay $0x2  }
0x9c: {  	s23 =	sadd.s32 $0x100, s23;
	[tilespmem:s24+$0x70] =	vst v0;
	s24 =	sadd.s32 $0x200, s24  }
0x9d: {  	s22 =	sadd.s32 s21, s9;
	s23 =	simm.s32 $0x1C780  }
0x9e: {  	s24 =	simm.s32 $0x80;
	s25 =	simm.s32 $0x1C880;
	s26 =	sadd.s32 $0x0, s22  }
.LBB2_9:
0x9f: {  	[hbm4b:s26+s5] =	stream.linear.scatter [tilespmem:s23], [sflag:$0x3], $0x80, $0x38;
	[tilespmem:$0x1E700] =	vst v63  }
0xa0: {  	s26 =	smov.u32 s24;
	s23 =	smov.u32 s25;
	p0 =	sne.s32 s24, $0xF80  }
.Ltmp3:
0xa1: {  	s24 =	sadd.s32 $0x80, s24;
	(pc) =	sbr.rel @p0 .LBB2_9-.Ltmp3, $2  }
0xa2: {  	_ =	sdelay $0x2  }
0xa3: {  	s25 =	sadd.s32 $0x100, s25;
	s26 =	sadd.s32 s26, s22  }
0xa4: {  	[hbm4b:s26+s5] =	stream.linear.scatter [tilespmem:s23], [sflag:$0x3], $0x80, $0x38;
	[tilespmem:$0x1E700] =	vst v63  }
0xa5: {  	_ =	swait.ge [sflag:s17], $0x1000  }
0xa6: {  	s22 =	simm.s32 $0xFFFFFFF0;
	[sflag:s17] =	ssyncset.done $0x0  }
0xa7: {  	s23 =	simm.s32 $0x1A7F0;
	s24 =	simm.s32 $0x1C800;
	[sflag:s17] =	ssyncadd.s32 $0xFFFFF000  }
.LBB2_11:
0xa8: {  	v0 =	vld [tilespmem:s23+$0xFFFFFF10];
	_ =	sdelay $0x7  }
0xa9: {  	v0 =	vld.idx.msk [tilespmem:v0+s5+$0x0], $0xffff;
	_ =	sdelay $0x4  }
0xaa: {  	[tilespmem:s24+$0xFFFFFF00] =	vst v0  }
0xab: {  	v0 =	vld [tilespmem:s23+$0xFFFFFF20];
	_ =	sdelay $0x7  }
0xac: {  	v0 =	vld.idx.msk [tilespmem:v0+s5+$0x0], $0xffff;
	_ =	sdelay $0x4  }
0xad: {  	[tilespmem:s24+$0xFFFFFF10] =	vst v0  }
0xae: {  	v0 =	vld [tilespmem:s23+$0xFFFFFF30];
	_ =	sdelay $0x7  }
0xaf: {  	v0 =	vld.idx.msk [tilespmem:v0+s5+$0x0], $0xffff;
	_ =	sdelay $0x4  }
0xb0: {  	[tilespmem:s24+$0xFFFFFF20] =	vst v0  }
0xb1: {  	v0 =	vld [tilespmem:s23+$0xFFFFFF40];
	_ =	sdelay $0x7  }
0xb2: {  	v0 =	vld.idx.msk [tilespmem:v0+s5+$0x0], $0xffff;
	_ =	sdelay $0x4  }
0xb3: {  	[tilespmem:s24+$0xFFFFFF30] =	vst v0  }
0xb4: {  	v0 =	vld [tilespmem:s23+$0xFFFFFF50];
	_ =	sdelay $0x7  }
0xb5: {  	v0 =	vld.idx.msk [tilespmem:v0+s5+$0x0], $0xffff;
	_ =	sdelay $0x4  }
0xb6: {  	[tilespmem:s24+$0xFFFFFF40] =	vst v0  }
0xb7: {  	v0 =	vld [tilespmem:s23+$0xFFFFFF60];
	_ =	sdelay $0x7  }
0xb8: {  	v0 =	vld.idx.msk [tilespmem:v0+s5+$0x0], $0xffff;
	_ =	sdelay $0x4  }
0xb9: {  	[tilespmem:s24+$0xFFFFFF50] =	vst v0  }
0xba: {  	v0 =	vld [tilespmem:s23+$0xFFFFFF70];
	_ =	sdelay $0x7  }
0xbb: {  	v0 =	vld.idx.msk [tilespmem:v0+s5+$0x0], $0xffff;
	_ =	sdelay $0x4  }
0xbc: {  	[tilespmem:s24+$0xFFFFFF60] =	vst v0  }
0xbd: {  	v0 =	vld [tilespmem:s23+$0xFFFFFF80];
	_ =	sdelay $0x7  }
0xbe: {  	v0 =	vld.idx.msk [tilespmem:v0+s5+$0x0], $0xffff;
	_ =	sdelay $0x4  }
0xbf: {  	[tilespmem:s24+$0xFFFFFF70] =	vst v0  }
0xc0: {  	v0 =	vld [tilespmem:s23+$0xFFFFFF90];
	_ =	sdelay $0x7  }
0xc1: {  	v0 =	vld.idx.msk [tilespmem:v0+s5+$0x0], $0xffff;
	_ =	sdelay $0x4  }
0xc2: {  	[tilespmem:s24+$0x0] =	vst v0  }
0xc3: {  	v0 =	vld [tilespmem:s23+$0xFFFFFFA0];
	_ =	sdelay $0x7  }
0xc4: {  	v0 =	vld.idx.msk [tilespmem:v0+s5+$0x0], $0xffff;
	_ =	sdelay $0x4  }
0xc5: {  	[tilespmem:s24+$0x10] =	vst v0  }
0xc6: {  	v0 =	vld [tilespmem:s23+$0xFFFFFFB0];
	_ =	sdelay $0x7  }
0xc7: {  	v0 =	vld.idx.msk [tilespmem:v0+s5+$0x0], $0xffff;
	_ =	sdelay $0x4  }
0xc8: {  	[tilespmem:s24+$0x20] =	vst v0  }
0xc9: {  	v0 =	vld [tilespmem:s23+$0xFFFFFFC0];
	_ =	sdelay $0x7  }
0xca: {  	v0 =	vld.idx.msk [tilespmem:v0+s5+$0x0], $0xffff;
	_ =	sdelay $0x4  }
0xcb: {  	[tilespmem:s24+$0x30] =	vst v0  }
0xcc: {  	v0 =	vld [tilespmem:s23+$0xFFFFFFD0];
	_ =	sdelay $0x7  }
0xcd: {  	v0 =	vld.idx.msk [tilespmem:v0+s5+$0x0], $0xffff;
	_ =	sdelay $0x4  }
0xce: {  	[tilespmem:s24+$0x40] =	vst v0  }
0xcf: {  	v0 =	vld [tilespmem:s23+$0xFFFFFFE0];
	_ =	sdelay $0x7  }
0xd0: {  	v0 =	vld.idx.msk [tilespmem:v0+s5+$0x0], $0xffff;
	_ =	sdelay $0x4  }
0xd1: {  	[tilespmem:s24+$0x50] =	vst v0  }
0xd2: {  	v0 =	vld [tilespmem:s23+$0xFFFFFFF0];
	_ =	sdelay $0x7  }
0xd3: {  	v0 =	vld.idx.msk [tilespmem:v0+s5+$0x0], $0xffff;
	_ =	sdelay $0x4  }
0xd4: {  	[tilespmem:s24+$0x60] =	vst v0  }
0xd5: {  	v0 =	vld [tilespmem:s23+$0x0];
	_ =	sdelay $0x6  }
0xd6: {  	s22 =	sadd.s32 $0x10, s22  }
0xd7: {  	p0 =	slt.u32 s22, $0xF0;
	v0 =	vld.idx.msk [tilespmem:v0+s5+$0x0], $0xffff  }
.Ltmp4:
0xd8: {  	_ = 	snop;
	(pc) =	sbr.rel @p0 .LBB2_11-.Ltmp4, $2  }
0xd9: {  	_ =	sdelay $0x2  }
0xda: {  	s23 =	sadd.s32 $0x100, s23;
	[tilespmem:s24+$0x70] =	vst v0;
	s24 =	sadd.s32 $0x200, s24  }
0xdb: {  	s22 =	sadd.s32 s21, s10;
	s23 =	simm.s32 $0x1C700  }
0xdc: {  	s24 =	simm.s32 $0x80;
	s25 =	simm.s32 $0x1C800;
	s26 =	sadd.s32 $0x0, s22  }
.LBB2_13:
0xdd: {  	[hbm4b:s26+s5] =	stream.linear.scatter [tilespmem:s23], [sflag:$0x2], $0x80, $0x38;
	[tilespmem:$0x1E700] =	vst v63  }
0xde: {  	s26 =	smov.u32 s24;
	s23 =	smov.u32 s25;
	p0 =	sne.s32 s24, $0xF80  }
.Ltmp5:
0xdf: {  	s24 =	sadd.s32 $0x80, s24;
	(pc) =	sbr.rel @p0 .LBB2_13-.Ltmp5, $2  }
0xe0: {  	_ =	sdelay $0x2  }
0xe1: {  	s25 =	sadd.s32 $0x100, s25;
	s26 =	sadd.s32 s26, s22  }
0xe2: {  	[hbm4b:s26+s5] =	stream.linear.scatter [tilespmem:s23], [sflag:$0x2], $0x80, $0x38;
	[tilespmem:$0x1E700] =	vst v63  }
0xe3: {  	_ =	swait.ge [sflag:s18], $0x1000  }
0xe4: {  	s22 =	simm.s32 $0xFFFFFFF0;
	[sflag:s18] =	ssyncset.done $0x0  }
0xe5: {  	s23 =	simm.s32 $0x1B7F0;
	s24 =	simm.s32 $0x1C880;
	[sflag:s18] =	ssyncadd.s32 $0xFFFFF000  }
.LBB2_15:
0xe6: {  	v0 =	vld [tilespmem:s23+$0xFFFFFF10];
	_ =	sdelay $0x7  }
0xe7: {  	v0 =	vld.idx.msk [tilespmem:v0+s5+$0x0], $0xffff;
	_ =	sdelay $0x4  }
0xe8: {  	[tilespmem:s24+$0xFFFFFF00] =	vst v0  }
0xe9: {  	v0 =	vld [tilespmem:s23+$0xFFFFFF20];
	_ =	sdelay $0x7  }
0xea: {  	v0 =	vld.idx.msk [tilespmem:v0+s5+$0x0], $0xffff;
	_ =	sdelay $0x4  }
0xeb: {  	[tilespmem:s24+$0xFFFFFF10] =	vst v0  }
0xec: {  	v0 =	vld [tilespmem:s23+$0xFFFFFF30];
	_ =	sdelay $0x7  }
0xed: {  	v0 =	vld.idx.msk [tilespmem:v0+s5+$0x0], $0xffff;
	_ =	sdelay $0x4  }
0xee: {  	[tilespmem:s24+$0xFFFFFF20] =	vst v0  }
0xef: {  	v0 =	vld [tilespmem:s23+$0xFFFFFF40];
	_ =	sdelay $0x7  }
0xf0: {  	v0 =	vld.idx.msk [tilespmem:v0+s5+$0x0], $0xffff;
	_ =	sdelay $0x4  }
0xf1: {  	[tilespmem:s24+$0xFFFFFF30] =	vst v0  }
0xf2: {  	v0 =	vld [tilespmem:s23+$0xFFFFFF50];
	_ =	sdelay $0x7  }
0xf3: {  	v0 =	vld.idx.msk [tilespmem:v0+s5+$0x0], $0xffff;
	_ =	sdelay $0x4  }
0xf4: {  	[tilespmem:s24+$0xFFFFFF40] =	vst v0  }
0xf5: {  	v0 =	vld [tilespmem:s23+$0xFFFFFF60];
	_ =	sdelay $0x7  }
0xf6: {  	v0 =	vld.idx.msk [tilespmem:v0+s5+$0x0], $0xffff;
	_ =	sdelay $0x4  }
0xf7: {  	[tilespmem:s24+$0xFFFFFF50] =	vst v0  }
0xf8: {  	v0 =	vld [tilespmem:s23+$0xFFFFFF70];
	_ =	sdelay $0x7  }
0xf9: {  	v0 =	vld.idx.msk [tilespmem:v0+s5+$0x0], $0xffff;
	_ =	sdelay $0x4  }
0xfa: {  	[tilespmem:s24+$0xFFFFFF60] =	vst v0  }
0xfb: {  	v0 =	vld [tilespmem:s23+$0xFFFFFF80];
	_ =	sdelay $0x7  }
0xfc: {  	v0 =	vld.idx.msk [tilespmem:v0+s5+$0x0], $0xffff;
	_ =	sdelay $0x4  }
0xfd: {  	[tilespmem:s24+$0xFFFFFF70] =	vst v0  }
0xfe: {  	v0 =	vld [tilespmem:s23+$0xFFFFFF90];
	_ =	sdelay $0x7  }
0xff: {  	v0 =	vld.idx.msk [tilespmem:v0+s5+$0x0], $0xffff;
	_ =	sdelay $0x4  }
0x100: {  	[tilespmem:s24+$0x0] =	vst v0  }
0x101: {  	v0 =	vld [tilespmem:s23+$0xFFFFFFA0];
	_ =	sdelay $0x7  }
0x102: {  	v0 =	vld.idx.msk [tilespmem:v0+s5+$0x0], $0xffff;
	_ =	sdelay $0x4  }
0x103: {  	[tilespmem:s24+$0x10] =	vst v0  }
0x104: {  	v0 =	vld [tilespmem:s23+$0xFFFFFFB0];
	_ =	sdelay $0x7  }
0x105: {  	v0 =	vld.idx.msk [tilespmem:v0+s5+$0x0], $0xffff;
	_ =	sdelay $0x4  }
0x106: {  	[tilespmem:s24+$0x20] =	vst v0  }
0x107: {  	v0 =	vld [tilespmem:s23+$0xFFFFFFC0];
	_ =	sdelay $0x7  }
0x108: {  	v0 =	vld.idx.msk [tilespmem:v0+s5+$0x0], $0xffff;
	_ =	sdelay $0x4  }
0x109: {  	[tilespmem:s24+$0x30] =	vst v0  }
0x10a: {  	v0 =	vld [tilespmem:s23+$0xFFFFFFD0];
	_ =	sdelay $0x7  }
0x10b: {  	v0 =	vld.idx.msk [tilespmem:v0+s5+$0x0], $0xffff;
	_ =	sdelay $0x4  }
0x10c: {  	[tilespmem:s24+$0x40] =	vst v0  }
0x10d: {  	v0 =	vld [tilespmem:s23+$0xFFFFFFE0];
	_ =	sdelay $0x7  }
0x10e: {  	v0 =	vld.idx.msk [tilespmem:v0+s5+$0x0], $0xffff;
	_ =	sdelay $0x4  }
0x10f: {  	[tilespmem:s24+$0x50] =	vst v0  }
0x110: {  	v0 =	vld [tilespmem:s23+$0xFFFFFFF0];
	_ =	sdelay $0x7  }
0x111: {  	v0 =	vld.idx.msk [tilespmem:v0+s5+$0x0], $0xffff;
	_ =	sdelay $0x4  }
0x112: {  	[tilespmem:s24+$0x60] =	vst v0  }
0x113: {  	v0 =	vld [tilespmem:s23+$0x0];
	_ =	sdelay $0x6  }
0x114: {  	s22 =	sadd.s32 $0x10, s22  }
0x115: {  	p0 =	slt.u32 s22, $0xF0;
	v0 =	vld.idx.msk [tilespmem:v0+s5+$0x0], $0xffff  }
.Ltmp6:
0x116: {  	_ = 	snop;
	(pc) =	sbr.rel @p0 .LBB2_15-.Ltmp6, $2  }
0x117: {  	_ =	sdelay $0x2  }
0x118: {  	s23 =	sadd.s32 $0x100, s23;
	[tilespmem:s24+$0x70] =	vst v0;
	s24 =	sadd.s32 $0x200, s24  }
0x119: {  	s21 =	sadd.s32 s21, s11;
	s22 =	simm.s32 $0x1C780  }
0x11a: {  	s23 =	simm.s32 $0x80;
	s24 =	simm.s32 $0x1C880;
	s25 =	sadd.s32 $0x0, s21  }
.LBB2_17:
0x11b: {  	[hbm4b:s25+s5] =	stream.linear.scatter [tilespmem:s22], [sflag:$0x3], $0x80, $0x38;
	[tilespmem:$0x1E700] =	vst v63  }
0x11c: {  	s25 =	smov.u32 s23;
	s22 =	smov.u32 s24;
	p0 =	sne.s32 s23, $0xF80  }
.Ltmp7:
0x11d: {  	s23 =	sadd.s32 $0x80, s23;
	(pc) =	sbr.rel @p0 .LBB2_17-.Ltmp7, $2  }
0x11e: {  	_ =	sdelay $0x2  }
0x11f: {  	s24 =	sadd.s32 $0x100, s24;
	s25 =	sadd.s32 s25, s21  }
0x120: {  	s20 =	sadd.s32 $0x1, s20  }
0x121: {  	p0 =	sne.s32 s20, $0x34  }
.Ltmp8:
0x122: {  	_ = 	snop;
	(pc) =	sbr.rel @p0 .LBB2_2-.Ltmp8, $2  }
0x123: {  	_ =	sdelay $0x2  }
0x124: {  	[hbm4b:s25+s5] =	stream.linear.scatter [tilespmem:s22], [sflag:$0x3], $0x80, $0x38;
	[tilespmem:$0x1E700] =	vst v63  }
0x125: {  	s19 =	sadd.s32 $0x1, s19  }
0x126: {  	_ =	swait.ge [sflag:s17], $0x1000;
	p0 =	sne.s32 s19, s12  }
.Ltmp9:
0x127: {  	[sflag:s17] =	ssyncset.done $0x0;
	(pc) =	sbr.rel @p0 .LBB2_1-.Ltmp9, $4  }
0x128: {  	[sflag:s17] =	ssyncadd.s32 $0xFFFFF000  }
0x129: {  	_ =	swait.ge [sflag:s18], $0x1000  }
0x12a: {  	[sflag:s18] =	ssyncset.done $0x0  }
0x12b: {  	[sflag:s18] =	ssyncadd.s32 $0xFFFFF000  }
0x12c: {  	_ =	sfence.sel $0x180000  }
0x12d: {  	[bflag:$0x0] =	sbarrier.arrive $0xFFFF  }
0x12e: {  	p0 =	sne.s32 s1, $0x0;
	_ =	strace $0x90000047  }
0x12f: {  	s0 =	sadd.s32 @!p0 $0x100000, s0;
	[bflag:$0x2] =	sbarrier.arrive $0xFFFF  }
0x130: {  	[sflag:s0] =	ssyncadd.tile.s32 @!p0 $0x1;
	_ =	shalt  }
.Lfunc_end2:
_tile_overlayer_lowered:
.L_overlay_start_2:
0x131: {  	(tag) =	ssettag $0x2  }
0x132: {  	s0 =	rddreg [dreg:$0x0];
	s2 =	stileid.u32  }
0x133: {  	s1 =	rddreg [dreg:$0x1];
	p0 =	sne.s32 s2, $0x0  }
0x134: {  	s3 =	rddreg [dreg:$0x2];
	[bflag:$0x3] =	sbarrier.arrive $0xFFFF;
	s2 =	simm.s32 @!p0 $0x1C04  }
0x135: {  	[timem:s3], [sflag:s2] =	dma.local @!p0 [hbm:s0], s1  }
0x136: {  	s0 =	simm.s32 @!p0 $0x4  }
0x137: {  	_ =	swait.ge @!p0 [sflag:s0], s1  }
0x138: {  	s1 =	ssub.s32 @!p0 $0x0, s1;
	[sflag:s0] =	ssyncset.done @!p0 $0x0  }
0x139: {  	[sflag:s0] =	ssyncadd.s32 @!p0 s1  }
0x13a: {  	[bflag:$0x3] =	sbarrier.arrive $0xFFFF  }
0x13b: {  	_ =	shalt  }

</sc_bundles>
